<compile_context>
chip_gen: v7x
topology: tpu7x:2x2x1
jax: 0.10.2.dev20260603
libtpu: 0.0.44.dev20260713+nightly
codegen_flags: <defaults>
</compile_context>

<pallas_src>
import functools

import numpy as np

import jax
import jax.numpy as jnp
from jax import lax
from jax.experimental import pallas as pl
from jax.experimental.pallas import tpu as pltpu
from jax.experimental.pallas import tpu_sc as plsc

NC = 2
NS = 16
NW = NC * NS
CHUNK = 128


def _cdiv(a, b):
    return (a + b - 1) // b



DW = 8


@functools.partial(jax.jit, static_argnames=("n_pad", "nch"))
def _sc_degree(dst3, ones_c, *, n_pad, nch):
    zrows = n_pad // NS
    mesh = plsc.VectorSubcoreMesh(core_axis_name="c", subcore_axis_name="s")

    @functools.partial(
        pl.kernel,
        out_type=jax.ShapeDtypeStruct((NC, n_pad, DW), jnp.float32),
        mesh=mesh,
        scratch_types=[
            pltpu.VMEM((nch, CHUNK), jnp.int32),
            pltpu.VMEM((CHUNK, DW), jnp.float32),
            pltpu.VMEM((zrows, DW), jnp.float32),
            pltpu.VMEM_SHARED((n_pad, DW), jnp.float32),
            pltpu.SemaphoreType.DMA,
        ],
        compiler_params=pltpu.CompilerParams(use_tc_tiling_on_sc=False),
    )
    def deg_kernel(dst_hbm, ones_hbm, out_hbm,
                   dst_v, ones_v, stage_v, acc_sh, sem):
        c = lax.axis_index("c")
        s = lax.axis_index("s")
        wid = s * NC + c
        pltpu.sync_copy(dst_hbm.at[wid], dst_v)
        pltpu.sync_copy(ones_hbm, ones_v)
        r0 = s * zrows
        stage_v[...] = jnp.zeros((zrows, DW), jnp.float32)
        pltpu.sync_copy(stage_v, acc_sh.at[pl.ds(r0, zrows)])
        plsc.subcore_barrier()

        def fire(j, carry):
            pltpu.make_async_copy(ones_v, acc_sh.at[dst_v.at[j]], sem).start(
                add=True)
            return carry

        def drain(j, carry):
            pltpu.make_async_copy(ones_v, acc_sh.at[dst_v.at[j]], sem).wait()
            return carry

        lax.fori_loop(0, nch, fire, 0)
        lax.fori_loop(0, nch, drain, 0)
        plsc.subcore_barrier()
        pltpu.sync_copy(acc_sh.at[pl.ds(r0, zrows)], stage_v)
        pltpu.sync_copy(stage_v, out_hbm.at[c, pl.ds(r0, zrows)])

    return deg_kernel(dst3, ones_c)


NB = 8


@functools.partial(jax.jit, static_argnames=("n_pad", "nch", "hp"))
def _sc_aggregate(y, src3, dst3, *, n_pad, nch, hp):
    zrows = n_pad // NS
    mesh = plsc.VectorSubcoreMesh(core_axis_name="c", subcore_axis_name="s")

    @functools.partial(
        pl.kernel,
        out_type=jax.ShapeDtypeStruct((NC, n_pad, hp), jnp.float32),
        mesh=mesh,
        scratch_types=[
            pltpu.VMEM((nch, CHUNK), jnp.int32),
            pltpu.VMEM((nch, CHUNK), jnp.int32),
            pltpu.VMEM((zrows, hp), jnp.float32),
            pltpu.VMEM_SHARED((n_pad, hp), jnp.float32),
        ]
        + [pltpu.VMEM((CHUNK, hp), jnp.float32) for _ in range(NB)]
        + [pltpu.SemaphoreType.DMA for _ in range(NB)],
        compiler_params=pltpu.CompilerParams(use_tc_tiling_on_sc=False),
    )
    def agg_kernel(y_hbm, src_hbm, dst_hbm, out_hbm,
                   src_v, dst_v, stage_v, acc_sh, *ring):
        rows = ring[:NB]
        sems = ring[NB:]
        c = lax.axis_index("c")
        s = lax.axis_index("s")
        wid = s * NC + c
        pltpu.sync_copy(src_hbm.at[wid], src_v)
        pltpu.sync_copy(dst_hbm.at[wid], dst_v)
        r0 = s * zrows
        stage_v[...] = jnp.zeros((zrows, hp), jnp.float32)
        pltpu.sync_copy(stage_v, acc_sh.at[pl.ds(r0, zrows)])
        plsc.subcore_barrier()

        for b in range(NB):
            pltpu.make_async_copy(y_hbm.at[src_v.at[b]], rows[b], sems[b]).start()

        def body(g, carry):
            for b in range(NB):
                j = g * NB + b
                pltpu.make_async_copy(y_hbm.at[src_v.at[j]], rows[b], sems[b]).wait()
                pltpu.sync_copy(rows[b], acc_sh.at[dst_v.at[j]], add=True)
                jn = j + NB

                @pl.when(jn < nch)
                def _():
                    pltpu.make_async_copy(
                        y_hbm.at[src_v.at[jn]], rows[b], sems[b]).start()
            return carry

        lax.fori_loop(0, nch // NB, body, 0)
        plsc.subcore_barrier()
        pltpu.sync_copy(acc_sh.at[pl.ds(r0, zrows)], stage_v)
        pltpu.sync_copy(stage_v, out_hbm.at[c, pl.ds(r0, zrows)])

    return agg_kernel(y, src3, dst3)



def _tc_dense1(x, w1p, degp, n, hp):
    def body(x_ref, w_ref, deg_ref, xw_ref, y_ref, dinv_ref):
        xw = jnp.dot(x_ref[...], w_ref[...], preferred_element_type=jnp.float32)
        deg = deg_ref[0, :n, :1] + deg_ref[1, :n, :1] + 1.0
        dinv = lax.rsqrt(deg)
        xw_ref[...] = xw
        y_ref[...] = xw * dinv
        dinv_ref[...] = dinv

    f32 = jnp.float32
    return pl.pallas_call(
        body,
        out_shape=(
            jax.ShapeDtypeStruct((n, hp), f32),
            jax.ShapeDtypeStruct((n, hp), f32),
            jax.ShapeDtypeStruct((n, 1), f32),
        ),
    )(x, w1p, degp)


def _tc_mid(zp, xw1, dinv, b1p, w2p, n, hp):
    def body(z_ref, xw_ref, dinv_ref, b_ref, w_ref, xw2_ref, y2_ref):
        dinv_v = dinv_ref[...]
        z = z_ref[0, :n, :] + z_ref[1, :n, :]
        h = jnp.maximum(z * dinv_v + xw_ref[...] * (dinv_v * dinv_v) + b_ref[...], 0.0)
        xw2 = jnp.dot(h, w_ref[...], preferred_element_type=jnp.float32)
        xw2_ref[...] = xw2
        y2_ref[...] = xw2 * dinv_v

    f32 = jnp.float32
    return pl.pallas_call(
        body,
        out_shape=(
            jax.ShapeDtypeStruct((n, hp), f32),
            jax.ShapeDtypeStruct((n, hp), f32),
        ),
    )(zp, xw1, dinv, b1p, w2p)


def _tc_final(zp, xw2, dinv, b2p, batch2, w3p, b3p, n, g, o, hp):
    def body(z_ref, xw_ref, dinv_ref, b_ref, bt_ref, w3_ref, b3_ref, out_ref):
        dinv_v = dinv_ref[...]
        z = z_ref[0, :n, :] + z_ref[1, :n, :]
        h = jnp.maximum(z * dinv_v + xw_ref[...] * (dinv_v * dinv_v) + b_ref[...], 0.0)
        gid = lax.broadcasted_iota(jnp.int32, (n, g), 1)
        m = (bt_ref[...] == gid).astype(jnp.float32)
        sums = lax.dot_general(m, h, (((0,), (0,)), ((), ())),
                               preferred_element_type=jnp.float32)
        cnt = jnp.sum(m, axis=0)
        mean = sums / jnp.maximum(cnt, 1.0)[:, None]
        out_ref[...] = jnp.dot(mean, w3_ref[...],
                               preferred_element_type=jnp.float32) + b3_ref[...]

    return pl.pallas_call(
        body,
        out_shape=jax.ShapeDtypeStruct((g, o), jnp.float32),
    )(zp, xw2, dinv, b2p, batch2, w3p, b3p)



def kernel(x, edge_index, batch, W1, b1, W2, b2, W3, b3):
    n, d = x.shape
    e = edge_index.shape[1]
    h = W1.shape[1]
    o = W3.shape[1]
    g = 64
    hp = 32
    n_pad = _cdiv(n + 64, NS * 8) * (NS * 8)

    epw = _cdiv(e, NW)
    nch = _cdiv(_cdiv(epw, CHUNK), NB) * NB
    epw_pad = nch * CHUNK
    pad_e = NW * epw_pad - e

    src = edge_index[0].reshape(-1)
    dst = edge_index[1].reshape(-1)
    ar = np.arange(pad_e, dtype=np.int32)
    src_pad = jnp.asarray((ar * 37) % n)
    dst_pad = jnp.asarray(n + (ar % 64))
    src3 = jnp.concatenate([src, src_pad]).reshape(NW, nch, CHUNK)
    dst3 = jnp.concatenate([dst, dst_pad]).reshape(NW, nch, CHUNK)

    f32 = jnp.float32
    w1p = jnp.pad(W1, ((0, 0), (0, hp - h)))
    w2p = jnp.pad(W2, ((0, hp - h), (0, hp - h)))
    w3p = jnp.pad(W3, ((0, hp - h), (0, 0)))
    b1p = jnp.pad(b1, (0, hp - h))[None, :]
    b2p = jnp.pad(b2, (0, hp - h))[None, :]
    b3p = b3[None, :]
    batch2 = batch[:, None]

    ones_c = jnp.asarray(np.ones((CHUNK, DW), np.float32))

    degp = _sc_degree(dst3, ones_c, n_pad=n_pad, nch=nch)
    xw1, y1, dinv = _tc_dense1(x, w1p, degp, n, hp)
    z1 = _sc_aggregate(y1, src3, dst3, n_pad=n_pad, nch=nch, hp=hp)
    xw2, y2 = _tc_mid(z1, xw1, dinv, b1p, w2p, n, hp)
    z2 = _sc_aggregate(y2, src3, dst3, n_pad=n_pad, nch=nch, hp=hp)
    return _tc_final(z2, xw2, dinv, b2p, batch2, w3p, b3p, n, g, o, hp)

# --- scband reference (transcript-rebuilt; emitter-appended) ---
"""Pipeline reference for scband-adams-gcn-10557029614291 (READ-ONLY COPY).

The authoritative reference and input builder live on the scoring server;
editing this copy changes nothing except your own understanding.
"""

import jax, jax.numpy as jnp
import numpy as np

N = 10000
E = 320000
D = 128
H = 24
O = 1
G = 64


def setup_inputs(seed: int = 0) -> dict:
    key = jax.random.key(seed)
    ks = jax.random.split(key, 10)
    x = jax.random.normal(ks[0], (N, D), dtype=jnp.float32)
    edge_index = jax.random.randint(ks[1], (2, E), 0, N, dtype=jnp.int32)
    batch = jnp.sort(jax.random.randint(ks[2], (N,), 0, G, dtype=jnp.int32))
    # GCNConv weights (glorot) and biases
    def glorot(k, fan_in, fan_out):
        lim = jnp.sqrt(6.0 / (fan_in + fan_out))
        return jax.random.uniform(k, (fan_in, fan_out), jnp.float32, -lim, lim)
    W1 = glorot(ks[3], D, H)
    b1 = jnp.zeros((H,), jnp.float32)
    W2 = glorot(ks[4], H, H)
    b2 = jnp.zeros((H,), jnp.float32)
    W3 = glorot(ks[5], H, O)
    b3 = jnp.zeros((O,), jnp.float32)
    return {"x": x, "edge_index": edge_index, "batch": batch,
            "W1": W1, "b1": b1, "W2": W2, "b2": b2, "W3": W3, "b3": b3}


def _gcn_conv(x, edge_index, W, b):
    # PyG GCNConv: add self-loops, symmetric normalization D^-1/2 (A+I) D^-1/2 X W + b
    n = x.shape[0]
    src = edge_index[0]
    dst = edge_index[1]
    loop = jnp.arange(n, dtype=src.dtype)
    s = jnp.concatenate([src, loop])
    d = jnp.concatenate([dst, loop])
    deg = jnp.zeros((n,), x.dtype).at[d].add(1.0)
    dinv = 1.0 / jnp.sqrt(deg)
    norm = dinv[s] * dinv[d]
    xw = x @ W
    msg = jnp.take(xw, s, axis=0) * norm[:, None]
    out = jnp.zeros((n, W.shape[1]), x.dtype).at[d].add(msg)
    return out + b


def reference(x, edge_index, batch, W1, b1, W2, b2, W3, b3):
    h = _gcn_conv(x, edge_index, W1, b1)
    h = jax.nn.relu(h)
    h = _gcn_conv(h, edge_index, W2, b2)
    h = jax.nn.relu(h)
    # global_mean_pool over batch ids
    sums = jax.ops.segment_sum(h, batch, num_segments=G)
    cnt = jax.ops.segment_sum(jnp.ones((h.shape[0],), h.dtype), batch, num_segments=G)
    mean = sums / jnp.clip(cnt, 1.0)[:, None]
    out = mean @ W3 + b3
    return out  # squeeze=False

if __name__ == "__main__":
    import jax
    _d = setup_inputs()
    print(jax.jit(kernel)(*tuple(_d.values())))

</pallas_src>

<mosaic_0001>
#map = affine_map<(d0, d1) -> (0, 0, 0)>
#map1 = affine_map<(d0, d1) -> (0, 0)>
module attributes {stable_mosaic.version = 14 : i64} {
  func.func @deg_kernel(%arg0: i32, %arg1: i32, %arg2: memref<32x80x128xi32, #tpu.memory_space<hbm>>, %arg3: memref<128x8xf32, #tpu.memory_space<hbm>>, %arg4: memref<2x10112x8xf32, #tpu.memory_space<hbm>>, %arg5: memref<80x128xi32, #tpu.memory_space<vmem>>, %arg6: memref<128x8xf32, #tpu.memory_space<vmem>>, %arg7: memref<632x8xf32, #tpu.memory_space<vmem>>, %arg8: memref<10112x8xf32, #tpu.memory_space<vmem_shared>>, %arg9: memref<!tpu.dma_semaphore, #tpu.memory_space<semaphore_mem>>) attributes {dimension_semantics = [#tpu.dimension_semantics<core_parallel>, #tpu.dimension_semantics<subcore_parallel>], iteration_bounds = array<i64: 2, 16>, scalar_prefetch = 0 : i64, scratch_operands = 5 : i64, tpu.core_type = #tpu.core_type<sc_vector_subcore>, window_params = [{transform_indices = #map}, {transform_indices = #map1}, {transform_indices = #map}]} {
    %mul3A = arith.constant 2 : i32
    %mul3A_0 = arith.muli %arg1, %mul3A : i32
    %add3A = arith.addi %mul3A_0, %arg0 : i32
    "tpu.region"() ({
      %run_scoped3A = tpu.sem_alloc : memref<!tpu.dma_semaphore, #tpu.memory_space<semaphore_mem>>
      %dma_start3A = arith.constant 0 : i32
      %dma_start3A_20 = arith.constant 0 : i32
      %dma_start3A_21 = tpu.memref_slice %arg2[%add3A, %dma_start3A, %dma_start3A_20] : memref<32x80x128xi32, #tpu.memory_space<hbm>> -> memref<1x80x128xi32, #tpu.memory_space<hbm>>
      %dma_start3A_22 = tpu.memref_squeeze %dma_start3A_21 : memref<1x80x128xi32, #tpu.memory_space<hbm>> -> memref<80x128xi32, #tpu.memory_space<hbm>>
      %dma_start3A_23 = arith.constant 0 : i32
      %dma_start3A_24 = arith.constant 0 : i32
      %dma_start3A_25 = tpu.memref_slice %arg2[%add3A, %dma_start3A_23, %dma_start3A_24] : memref<32x80x128xi32, #tpu.memory_space<hbm>> -> memref<1x80x128xi32, #tpu.memory_space<hbm>>
      %dma_start3A_26 = tpu.memref_squeeze %dma_start3A_25 : memref<1x80x128xi32, #tpu.memory_space<hbm>> -> memref<80x128xi32, #tpu.memory_space<hbm>>
      tpu.enqueue_dma source(%dma_start3A_26 : memref<80x128xi32, #tpu.memory_space<hbm>>) target(%arg5 : memref<80x128xi32, #tpu.memory_space<vmem>>) target_semaphore(%run_scoped3A : memref<!tpu.dma_semaphore, #tpu.memory_space<semaphore_mem>>)
      %dma_wait3A = arith.constant 0 : i32
      %dma_wait3A_27 = arith.constant 0 : i32
      %dma_wait3A_28 = tpu.memref_slice %arg2[%add3A, %dma_wait3A, %dma_wait3A_27] : memref<32x80x128xi32, #tpu.memory_space<hbm>> -> memref<1x80x128xi32, #tpu.memory_space<hbm>>
      %dma_wait3A_29 = tpu.memref_squeeze %dma_wait3A_28 : memref<1x80x128xi32, #tpu.memory_space<hbm>> -> memref<80x128xi32, #tpu.memory_space<hbm>>
      %dma_wait3A_30 = arith.constant 0 : i32
      %dma_wait3A_31 = arith.constant 0 : i32
      %dma_wait3A_32 = tpu.memref_slice %arg2[%add3A, %dma_wait3A_30, %dma_wait3A_31] : memref<32x80x128xi32, #tpu.memory_space<hbm>> -> memref<1x80x128xi32, #tpu.memory_space<hbm>>
      %dma_wait3A_33 = tpu.memref_squeeze %dma_wait3A_32 : memref<1x80x128xi32, #tpu.memory_space<hbm>> -> memref<80x128xi32, #tpu.memory_space<hbm>>
      tpu.wait_dma2 semaphore(%run_scoped3A : memref<!tpu.dma_semaphore, #tpu.memory_space<semaphore_mem>>) src(%dma_wait3A_33 : memref<80x128xi32, #tpu.memory_space<hbm>>) dst(%arg5 : memref<80x128xi32, #tpu.memory_space<vmem>>)
      tpu.yield
    }) : () -> ()
    "tpu.region"() ({
      %run_scoped3A = tpu.sem_alloc : memref<!tpu.dma_semaphore, #tpu.memory_space<semaphore_mem>>
      tpu.enqueue_dma source(%arg3 : memref<128x8xf32, #tpu.memory_space<hbm>>) target(%arg6 : memref<128x8xf32, #tpu.memory_space<vmem>>) target_semaphore(%run_scoped3A : memref<!tpu.dma_semaphore, #tpu.memory_space<semaphore_mem>>)
      tpu.wait_dma2 semaphore(%run_scoped3A : memref<!tpu.dma_semaphore, #tpu.memory_space<semaphore_mem>>) src(%arg3 : memref<128x8xf32, #tpu.memory_space<hbm>>) dst(%arg6 : memref<128x8xf32, #tpu.memory_space<vmem>>)
      tpu.yield
    }) : () -> ()
    %mul3A_1 = arith.constant 632 : i32
    %mul3A_2 = arith.muli %arg1, %mul3A_1 : i32
    %broadcast_in_dim3A = arith.constant 0.000000e+00 : f32
    %broadcast_in_dim3A_3 = vector.broadcast %broadcast_in_dim3A : f32 to vector<632x8xf32>
    %swap3A = arith.constant 0 : index
    %swap3A_4 = arith.constant 0 : index
    %swap3A_5 = tpu.vector_load %arg7[%swap3A, %swap3A_4] {strides = array<i32>} : memref<632x8xf32, #tpu.memory_space<vmem>>, vector<632x8xf32>,
    %swap3A_6 = vector.shape_cast %swap3A_5 : vector<632x8xf32> to vector<632x8xf32>
    %swap3A_7 = vector.shape_cast %broadcast_in_dim3A_3 : vector<632x8xf32> to vector<632x8xf32>
    tpu.vector_store %arg7[%swap3A, %swap3A_4], %swap3A_7 {strides = array<i32>} : memref<632x8xf32, #tpu.memory_space<vmem>>, vector<632x8xf32>,
    "tpu.region"() ({
      %run_scoped3A = tpu.sem_alloc : memref<!tpu.dma_semaphore, #tpu.memory_space<semaphore_mem>>
      %dma_start3A = arith.constant 0 : i32
      %dma_start3A_20 = tpu.memref_slice %arg8[%mul3A_2, %dma_start3A] : memref<10112x8xf32, #tpu.memory_space<vmem_shared>> -> memref<632x8xf32, #tpu.memory_space<vmem_shared>>
      %dma_start3A_21 = arith.constant 0 : i32
      %dma_start3A_22 = tpu.memref_slice %arg8[%mul3A_2, %dma_start3A_21] : memref<10112x8xf32, #tpu.memory_space<vmem_shared>> -> memref<632x8xf32, #tpu.memory_space<vmem_shared>>
      tpu.enqueue_dma source(%arg7 : memref<632x8xf32, #tpu.memory_space<vmem>>) target(%dma_start3A_22 : memref<632x8xf32, #tpu.memory_space<vmem_shared>>) target_semaphore(%run_scoped3A : memref<!tpu.dma_semaphore, #tpu.memory_space<semaphore_mem>>)
      %dma_wait3A = arith.constant 0 : i32
      %dma_wait3A_23 = tpu.memref_slice %arg8[%mul3A_2, %dma_wait3A] : memref<10112x8xf32, #tpu.memory_space<vmem_shared>> -> memref<632x8xf32, #tpu.memory_space<vmem_shared>>
      %dma_wait3A_24 = arith.constant 0 : i32
      %dma_wait3A_25 = tpu.memref_slice %arg8[%mul3A_2, %dma_wait3A_24] : memref<10112x8xf32, #tpu.memory_space<vmem_shared>> -> memref<632x8xf32, #tpu.memory_space<vmem_shared>>
      tpu.wait_dma2 semaphore(%run_scoped3A : memref<!tpu.dma_semaphore, #tpu.memory_space<semaphore_mem>>) src(%arg7 : memref<632x8xf32, #tpu.memory_space<vmem>>) dst(%dma_wait3A_25 : memref<632x8xf32, #tpu.memory_space<vmem_shared>>)
      tpu.yield
    }) : () -> ()
    %barrier3A = arith.constant 0 : index
    tpu.barrier barrier_id(%barrier3A)
    %scan3A = arith.constant 0 : i32
    %scan3A_8 = arith.constant 0 : i32
    %scan3A_9 = arith.constant 80 : i32
    %scan3A_10 = arith.addi %scan3A_8, %scan3A_9 : i32
    %scan3A_11 = arith.constant 1 : i32
    scf.for %scan3A_20 = %scan3A_8 to %scan3A_10 step %scan3A_11  : i32 {
      %dma_start3A = arith.constant 0 : i32
      %dma_start3A_21 = tpu.memref_slice %arg5[%scan3A_20, %dma_start3A] : memref<80x128xi32, #tpu.memory_space<vmem>> -> memref<1x128xi32, #tpu.memory_space<vmem>>
      %dma_start3A_22 = tpu.memref_squeeze %dma_start3A_21 : memref<1x128xi32, #tpu.memory_space<vmem>> -> memref<128xi32, #tpu.memory_space<vmem>>
      %dma_start3A_23 = arith.constant 0 : i32
      %dma_start3A_24 = arith.constant 0 : i32
      %dma_start3A_25 = tpu.memref_slice %arg8[%dma_start3A_23, %dma_start3A_24] : memref<10112x8xf32, #tpu.memory_space<vmem_shared>> -> memref<10112x8xf32, #tpu.memory_space<vmem_shared>>
      tpu.enqueue_indirect_dma source(%arg6 : memref<128x8xf32, #tpu.memory_space<vmem>>) target(%dma_start3A_25 : memref<10112x8xf32, #tpu.memory_space<vmem_shared>>) offsets(%dma_start3A_22 : memref<128xi32, #tpu.memory_space<vmem>>) semaphore(%arg9 : memref<!tpu.dma_semaphore, #tpu.memory_space<semaphore_mem>>) {add = true}
    }
    %scan3A_12 = arith.constant 80 : i32
    %scan3A_13 = arith.constant 0 : i32
    %scan3A_14 = arith.constant 0 : i32
    %scan3A_15 = arith.constant 80 : i32
    %scan3A_16 = arith.addi %scan3A_14, %scan3A_15 : i32
    %scan3A_17 = arith.constant 1 : i32
    scf.for %scan3A_20 = %scan3A_14 to %scan3A_16 step %scan3A_17  : i32 {
      %dma_wait3A = arith.constant 0 : i32
      %dma_wait3A_21 = tpu.memref_slice %arg5[%scan3A_20, %dma_wait3A] : memref<80x128xi32, #tpu.memory_space<vmem>> -> memref<1x128xi32, #tpu.memory_space<vmem>>
      %dma_wait3A_22 = tpu.memref_squeeze %dma_wait3A_21 : memref<1x128xi32, #tpu.memory_space<vmem>> -> memref<128xi32, #tpu.memory_space<vmem>>
      %dma_wait3A_23 = arith.constant 0 : i32
      %dma_wait3A_24 = arith.constant 0 : i32
      %dma_wait3A_25 = tpu.memref_slice %arg8[%dma_wait3A_23, %dma_wait3A_24] : memref<10112x8xf32, #tpu.memory_space<vmem_shared>> -> memref<10112x8xf32, #tpu.memory_space<vmem_shared>>
      tpu.wait_indirect_dma semaphore(%arg9 : memref<!tpu.dma_semaphore, #tpu.memory_space<semaphore_mem>>) src(%arg6 : memref<128x8xf32, #tpu.memory_space<vmem>>) dst(%dma_wait3A_25 : memref<10112x8xf32, #tpu.memory_space<vmem_shared>>)
    }
    %scan3A_18 = arith.constant 80 : i32
    %barrier3A_19 = arith.constant 0 : index
    tpu.barrier barrier_id(%barrier3A_19)
    "tpu.region"() ({
      %run_scoped3A = tpu.sem_alloc : memref<!tpu.dma_semaphore, #tpu.memory_space<semaphore_mem>>
      %dma_start3A = arith.constant 0 : i32
      %dma_start3A_20 = tpu.memref_slice %arg8[%mul3A_2, %dma_start3A] : memref<10112x8xf32, #tpu.memory_space<vmem_shared>> -> memref<632x8xf32, #tpu.memory_space<vmem_shared>>
      %dma_start3A_21 = arith.constant 0 : i32
      %dma_start3A_22 = tpu.memref_slice %arg8[%mul3A_2, %dma_start3A_21] : memref<10112x8xf32, #tpu.memory_space<vmem_shared>> -> memref<632x8xf32, #tpu.memory_space<vmem_shared>>
      tpu.enqueue_dma source(%dma_start3A_22 : memref<632x8xf32, #tpu.memory_space<vmem_shared>>) target(%arg7 : memref<632x8xf32, #tpu.memory_space<vmem>>) target_semaphore(%run_scoped3A : memref<!tpu.dma_semaphore, #tpu.memory_space<semaphore_mem>>)
      %dma_wait3A = arith.constant 0 : i32
      %dma_wait3A_23 = tpu.memref_slice %arg8[%mul3A_2, %dma_wait3A] : memref<10112x8xf32, #tpu.memory_space<vmem_shared>> -> memref<632x8xf32, #tpu.memory_space<vmem_shared>>
      %dma_wait3A_24 = arith.constant 0 : i32
      %dma_wait3A_25 = tpu.memref_slice %arg8[%mul3A_2, %dma_wait3A_24] : memref<10112x8xf32, #tpu.memory_space<vmem_shared>> -> memref<632x8xf32, #tpu.memory_space<vmem_shared>>
      tpu.wait_dma2 semaphore(%run_scoped3A : memref<!tpu.dma_semaphore, #tpu.memory_space<semaphore_mem>>) src(%dma_wait3A_25 : memref<632x8xf32, #tpu.memory_space<vmem_shared>>) dst(%arg7 : memref<632x8xf32, #tpu.memory_space<vmem>>)
      tpu.yield
    }) : () -> ()
    "tpu.region"() ({
      %run_scoped3A = tpu.sem_alloc : memref<!tpu.dma_semaphore, #tpu.memory_space<semaphore_mem>>
      %dma_start3A = arith.constant 0 : i32
      %dma_start3A_20 = tpu.memref_slice %arg4[%arg0, %mul3A_2, %dma_start3A] : memref<2x10112x8xf32, #tpu.memory_space<hbm>> -> memref<1x632x8xf32, #tpu.memory_space<hbm>>
      %dma_start3A_21 = tpu.memref_squeeze %dma_start3A_20 : memref<1x632x8xf32, #tpu.memory_space<hbm>> -> memref<632x8xf32, #tpu.memory_space<hbm>>
      %dma_start3A_22 = arith.constant 0 : i32
      %dma_start3A_23 = tpu.memref_slice %arg4[%arg0, %mul3A_2, %dma_start3A_22] : memref<2x10112x8xf32, #tpu.memory_space<hbm>> -> memref<1x632x8xf32, #tpu.memory_space<hbm>>
      %dma_start3A_24 = tpu.memref_squeeze %dma_start3A_23 : memref<1x632x8xf32, #tpu.memory_space<hbm>> -> memref<632x8xf32, #tpu.memory_space<hbm>>
      tpu.enqueue_dma source(%arg7 : memref<632x8xf32, #tpu.memory_space<vmem>>) target(%dma_start3A_24 : memref<632x8xf32, #tpu.memory_space<hbm>>) target_semaphore(%run_scoped3A : memref<!tpu.dma_semaphore, #tpu.memory_space<semaphore_mem>>)
      %dma_wait3A = arith.constant 0 : i32
      %dma_wait3A_25 = tpu.memref_slice %arg4[%arg0, %mul3A_2, %dma_wait3A] : memref<2x10112x8xf32, #tpu.memory_space<hbm>> -> memref<1x632x8xf32, #tpu.memory_space<hbm>>
      %dma_wait3A_26 = tpu.memref_squeeze %dma_wait3A_25 : memref<1x632x8xf32, #tpu.memory_space<hbm>> -> memref<632x8xf32, #tpu.memory_space<hbm>>
      %dma_wait3A_27 = arith.constant 0 : i32
      %dma_wait3A_28 = tpu.memref_slice %arg4[%arg0, %mul3A_2, %dma_wait3A_27] : memref<2x10112x8xf32, #tpu.memory_space<hbm>> -> memref<1x632x8xf32, #tpu.memory_space<hbm>>
      %dma_wait3A_29 = tpu.memref_squeeze %dma_wait3A_28 : memref<1x632x8xf32, #tpu.memory_space<hbm>> -> memref<632x8xf32, #tpu.memory_space<hbm>>
      tpu.wait_dma2 semaphore(%run_scoped3A : memref<!tpu.dma_semaphore, #tpu.memory_space<semaphore_mem>>) src(%arg7 : memref<632x8xf32, #tpu.memory_space<vmem>>) dst(%dma_wait3A_29 : memref<632x8xf32, #tpu.memory_space<hbm>>)
      tpu.yield
    }) : () -> ()
    return
  }
}

</mosaic_0001>

<sc_bundles>
// kernel: _sc_degree.3.cloned.1.call-start
scs
__scs_entry_jumppad:
0x0: {  	(pc) =	sbr.rel $0x88, $3  }
0x1: {  	(tag) =	ssettag $0x0;
	lr =	simm.s32 $0x1  }
0x2: {  	[smem:$0x3F9F] =	sst lr;
	_ =	strace $0xD0000000  }
0x3: {  	_ = 	snop  }
0x4: {  	_ = 	snop  }
0x5: {  	_ = 	snop  }
0x6: {  	_ = 	snop  }
0x7: {  	_ = 	snop  }
__scs_overlays_trampoline_lowered:
0x8: {  	[smem:$0x3FAE] =	sst s0  }
0x9: {  	[smem:$0x3FAF] =	sst s1  }
0xa: {  	[smem:$0x3FB0] =	sst s2  }
0xb: {  	[smem:$0x3FB1] =	sst s3  }
0xc: {  	[smem:$0x3FB2] =	sst s4  }
0xd: {  	[smem:$0x3FB3] =	sst s5  }
0xe: {  	[smem:$0x3FB4] =	sst s6  }
0xf: {  	[smem:$0x3FB5] =	sst s7  }
0x10: {  	[smem:$0x3FB6] =	sst s8  }
0x11: {  	[smem:$0x3FB7] =	sst s9;
	s0 =	simm.s32 @!p0 $0x0  }
0x12: {  	s1 =	sld [smem:$0x3F9D];
	s0 =	simm.s32 @p0 $0x1  }
0x13: {  	[smem:$0x3FB8] =	sst s0;
	s0 =	simm.s32 @!p1 $0x0  }
0x14: {  	s2 =	sld [smem:$0x3F9C];
	s0 =	simm.s32 @p1 $0x1  }
0x15: {  	[smem:$0x3FB9] =	sst s0;
	s0 =	simm.s32 @!p2 $0x0  }
0x16: {  	s3 =	sld [smem:$0x3FDB];
	s0 =	simm.s32 @p2 $0x1  }
0x17: {  	s4 =	simm.s32 $0x1BF5;
	[smem:$0x3FBB] =	sst s0  }
0x18: {  	s0 =	sld [smem:$0x3F9E];
	_ =	swait.ge [sflag:s4], $0x0  }
0x19: {  	s7 =	sld [smem:$0x3F9F]  }
0x1a: {  	s8 =	sadd.s32 $0xFFFFE003, lr  }
0x1b: {  	s9 =	sadd.s32 $0xFFFFFEF7, lr;
	s5 =	simm.s32 $0xFFFFFFFF;
	p2 =	slt.u32 s8, $0xFFFFF086  }
0x1c: {  	p1 =	slt.u32 s9, $0xF7A;
	s5 =	simm.s32 @!p2 $0x0  }
0x1d: {  	s5 =	simm.s32 @p1 $0x1;
	p0 =	seq.s32 s7, s2  }
0x1e: {  	s7 =	smul.u32 @!p0 $0xF7A, s2;
	p2 =	seq.s32 @!p0 s5, $0x0  }
0x1f: {  	s9 =	smul.u32 $0xF7A, s1;
	s8 =	simm.s32 @!p0 $0x1BF5;
	p2 =	por !p2, p0  }
0x20: {  	[sflag:s8] =	ssyncset.s32 @!p0 $0xFFFFF086;
	s6 =	sadd.s32 @!p0 s3, s7;
	s7 =	simm.s32 @!p0 $0x108  }
0x21: {  	s3 =	sadd.s32 s3, s9;
	s6 =	sadd.s32 @!p0 $0x88, s6;
	s7 =	simm.s32 @p2 $0x1082  }
0x22: {  	[simem:s7], [sflag:s8] =	dma.local @!p0 [hbm:s6], $0xF7A  }
0x23: {  	s9 =	sor.u32 $0xD0000000, s2;
	s6 =	simm.s32 $0x108;
	_ =	swait.ge @!p0 [sflag:s8], $0x0  }
0x24: {  	s3 =	sadd.s32 $0x88, s3;
	s6 =	simm.s32 @!p1 $0x1082;
	[sflag:s4] =	ssyncset.s32 $0xFFFFF086  }
0x25: {  	[simem:s6], [sflag:s4] =	dma.local [hbm:s3], $0xF7A  }
0x26: {  	[smem:$0x3F9F] =	sst s1;
	(tag) =	ssettag s2;
	_ =	strace s9  }
0x27: {  	s1 =	sld [smem:$0x3FAF]  }
0x28: {  	s2 =	sld [smem:$0x3FB0]  }
0x29: {  	s4 =	sld [smem:$0x3FB2]  }
0x2a: {  	p0 =	seq.s32 s5, $0x0;
	s5 =	sld [smem:$0x3FB3]  }
0x2b: {  	s6 =	sld [smem:$0x3FB4]  }
0x2c: {  	s7 =	sld [smem:$0x3FB5]  }
0x2d: {  	s3 =	simm.s32 $0x108;
	s8 =	sld [smem:$0x3FB6]  }
0x2e: {  	s3 =	simm.s32 @!p0 $0x1082;
	s9 =	sld [smem:$0x3FB7]  }
0x2f: {  	lr =	sadd.s32 s0, s3;
	s0 =	sld [smem:$0x3FAE]  }
0x30: {  	s3 =	sld [smem:$0x3FB1]  }
0x31: {  	[smem:$0x3FBA] =	sst s10  }
0x32: {  	s10 =	sld [smem:$0x3FB8];
	_ =	sdelay $0x3  }
0x33: {  	p0 =	seq.s32 s10, $0x1;
	s10 =	sld [smem:$0x3FBA];
	_ =	sdelay $0x3  }
0x34: {  	[smem:$0x3FBA] =	sst s10  }
0x35: {  	s10 =	sld [smem:$0x3FB9];
	_ =	sdelay $0x3  }
0x36: {  	p1 =	seq.s32 s10, $0x1;
	s10 =	sld [smem:$0x3FBA];
	_ =	sdelay $0x3  }
0x37: {  	[smem:$0x3FBA] =	sst s10  }
0x38: {  	s10 =	sld [smem:$0x3FBB]  }
0x39: {  	_ = 	snop;
	(pc) =	sbr.ind lr, $3  }
0x3a: {  	_ = 	snop  }
0x3b: {  	_ = 	snop  }
0x3c: {  	p2 =	seq.s32 s10, $0x1;
	s10 =	sld [smem:$0x3FBA]  }
0x3d: {  	_ =	shalt  }
0x3e: {  	_ =	shalt  }
0x3f: {  	_ =	shalt  }
0x40: {  	_ =	shalt  }
0x41: {  	_ =	shalt  }
0x42: {  	_ =	shalt  }
0x43: {  	_ =	shalt  }
0x44: {  	_ =	shalt  }
0x45: {  	_ =	shalt  }
0x46: {  	_ =	shalt  }
0x47: {  	_ =	shalt  }
0x48: {  	_ =	shalt  }
0x49: {  	_ =	shalt  }
0x4a: {  	_ =	shalt  }
0x4b: {  	_ =	shalt  }
0x4c: {  	_ =	shalt  }
0x4d: {  	_ =	shalt  }
0x4e: {  	_ =	shalt  }
0x4f: {  	_ =	shalt  }
0x50: {  	_ =	shalt  }
0x51: {  	_ =	shalt  }
0x52: {  	_ =	shalt  }
0x53: {  	_ =	shalt  }
0x54: {  	_ =	shalt  }
0x55: {  	_ =	shalt  }
0x56: {  	_ =	shalt  }
0x57: {  	_ =	shalt  }
0x58: {  	_ =	shalt  }
0x59: {  	_ =	shalt  }
0x5a: {  	_ =	shalt  }
0x5b: {  	_ =	shalt  }
0x5c: {  	_ =	shalt  }
0x5d: {  	_ =	shalt  }
0x5e: {  	_ =	shalt  }
0x5f: {  	_ =	shalt  }
0x60: {  	_ =	shalt  }
0x61: {  	_ =	shalt  }
0x62: {  	_ =	shalt  }
0x63: {  	_ =	shalt  }
0x64: {  	_ =	shalt  }
0x65: {  	_ =	shalt  }
0x66: {  	_ =	shalt  }
0x67: {  	_ =	shalt  }
0x68: {  	_ =	shalt  }
0x69: {  	_ =	shalt  }
0x6a: {  	_ =	shalt  }
0x6b: {  	_ =	shalt  }
0x6c: {  	_ =	shalt  }
0x6d: {  	_ =	shalt  }
0x6e: {  	_ =	shalt  }
0x6f: {  	_ =	shalt  }
0x70: {  	_ =	shalt  }
0x71: {  	_ =	shalt  }
0x72: {  	_ =	shalt  }
0x73: {  	_ =	shalt  }
0x74: {  	_ =	shalt  }
0x75: {  	_ =	shalt  }
0x76: {  	_ =	shalt  }
0x77: {  	_ =	shalt  }
0x78: {  	_ =	shalt  }
0x79: {  	_ =	shalt  }
0x7a: {  	_ =	shalt  }
0x7b: {  	_ =	shalt  }
0x7c: {  	_ =	shalt  }
0x7d: {  	_ =	shalt  }
0x7e: {  	_ =	shalt  }
0x7f: {  	_ =	shalt  }
0x80: {  	_ =	shalt  }
0x81: {  	_ =	shalt  }
0x82: {  	_ =	shalt  }
0x83: {  	_ =	shalt  }
0x84: {  	_ =	shalt  }
0x85: {  	_ =	shalt  }
0x86: {  	_ =	shalt  }
0x87: {  	_ =	shalt  }
.Lfunc_end0:
.L_simem_size_0:
called_computation_lowered:
.L_overlay_start_0:
0x88: {  	s2 =	sld [smem:$0x3FD9]  }
0x89: {  	s3 =	sld [smem:$0x3FFE];
	_ =	sdelay $0x1  }
0x8a: {  	s1 =	srdreg.scid  }
0x8b: {  	s0 =	sand.u32 $0x1, s1  }
0x8c: {  	s17 =	sshll.u32 s0, $0xA;
	s2 =	sadd.s32 s3, s2  }
0x8d: {  	s2 =	sadd.s32 s2, s17  }
0x8e: {  	[smem:$0x3FC6] =	sst s2  }
0x8f: {  	_ = 	snop  }
0x90: {  	s2 =	sld [smem:$0x3FC9]  }
0x91: {  	s18 =	sld [smem:$0x3FD0];
	(tm) =	ssettm $0x1  }
0x92: {  	s4 =	sld [smem:$0x3FFB];
	_ =	sdelay $0x3  }
0x93: {  	_ =	strace s4  }
0x94: {  	s4 =	sld [smem:$0x3FFC];
	_ =	sdelay $0x3  }
0x95: {  	_ =	strace s4  }
0x96: {  	s4 =	sld [smem:$0x3FFD];
	_ =	sdelay $0x3  }
0x97: {  	_ =	strace s4  }
0x98: {  	_ =	strace $0x8FFFFFFF  }
0x99: {  	s19 =	sld [smem:$0x3FDB];
	_ =	sdelay $0x1  }
0x9a: {  	s5 =	simm.s32 $_scs_section_size  }
0x9b: {  	s6 =	simm.s32 $_size__tile_overlayer_lowered;
	s7 =	simm.s32 $_tile_overlayer_lowered  }
0x9c: {  	s22 =	simm.s32 $0x1BFF;
	s21 =	sshll.u32 s7, $0x1;
	s4 =	sadd.s32 s5, s19  }
0x9d: {  	s8 =	simm.s32 $0x0;
	s20 =	sshll.u32 s6, $0x1;
	s6 =	sadd.s32 s21, s4  }
0x9e: {  	[timem:s8], [sflag:s22] =	dma.local [hbm:s6], s20  }
0x9f: {  	_ =	swait.ge [sflag:s22], s20  }
0xa0: {  	s5 =	ssub.s32 $0x0, s20;
	[sflag:s22] =	ssyncset.done $0x0  }
0xa1: {  	[sflag:s22] =	ssyncadd.s32 s5;
	_ =	sdelay $0x1  }
0xa2: {  	s23 =	simm.s32 $0x1B8B  }
0xa3: {  	_ =	swait.ge [sflag:s23], $0x1  }
0xa4: {  	[sflag:s23] =	ssyncset.done $0x0  }
0xa5: {  	s25 =	simm.s32 $0x1B8E;
	s24 =	sld [smem:$0x3FFE];
	[sflag:s23] =	ssyncadd.s32 $0xFFFFFFFF  }
0xa6: {  	s26 =	simm.s32 $execute0_lowered;
	[smem:$0x3FD2] =	sst s25  }
0xa7: {  	s6 =	sshll.u32 s26, $0x1;
	_ =	strace $0x80000046;
	[dreg:$0x1] =	wrdreg $0xFFFFFFFF  }
0xa8: {  	s28 =	simm.s32 $_size_execute0_lowered;
	s4 =	sadd.s32 s4, s6;
	[dreg:$0x0] =	wrdreg $0x0  }
0xa9: {  	s6 =	sshll.u32 s28, $0x1;
	[dreg:$0x2] =	wrdreg s4  }
0xaa: {  	[dreg:$0x3] =	wrdreg s6  }
0xab: {  	[dreg:$0x4] =	wrdreg $0xC0  }
0xac: {  	_ =	task [dreg:s8], $0x5FFFF  }
0xad: {  	[dreg:$0x1] =	wrdreg $0xFFFFFFFF  }
0xae: {  	[dreg:$0x0] =	wrdreg $0x60  }
0xaf: {  	[dreg:$0x2] =	wrdreg s2  }
0xb0: {  	[dreg:$0x3] =	wrdreg s24  }
0xb1: {  	[dreg:$0x4] =	wrdreg s18  }
0xb2: {  	[dreg:$0x5] =	wrdreg $0x3FC00  }
0xb3: {  	[dreg:$0x6] =	wrdreg $0x9  }
0xb4: {  	_ =	task.clear_ibuf [dreg:s8], $0x7FFFF;
	_ =	strace $0x90000046  }
0xb5: {  	s29 =	simm.s32 $0x9;
	_ =	strace $0x80000048  }
0xb6: {  	_ =	swait.ge [sflag:s29], $0x1  }
0xb7: {  	[sflag:s29] =	ssyncadd.s32 $0xFFFFFFFF  }
0xb8: {  	_ =	strace $0x90000048  }
0xb9: {  	_ =	sfence  }
0xba: {  	s30 =	sld [smem:$0x0];
	_ =	sdelay $0x2  }
0xbb: {  	s31 =	sshll.u32 s1, $0xD;
	s1 =	sshrl.u32 s1, $0x2  }
0xbc: {  	s3 =	sand.u32 $0x4000, s31;
	s1 =	sadd.s32 s1, s30  }
0xbd: {  	s0 =	sor.u32 s3, s0;
	s1 =	sshll.u32 s1, $0x11  }
0xbe: {  	s0 =	sor.u32 s1, s0  }
0xbf: {  	s0 =	sadd.s32 $0x8F2B, s0  }
0xc0: {  	[sflag:s0] =	ssyncadd.remote.s32 $0x1  }
0xc1: {  	_ =	sfence.sel $0xFFFF  }
0xc2: {  	[dreg:$0x0] =	wrdreg $0xFFFFFFFF;
	(pc) =	sbr.abs _section_cstart, $3  }
0xc3: {  	[dreg:$0x1] =	wrdreg $0xFFFFFFFF  }
0xc4: {  	_ =	task.clear_ibuf [dreg:s8], $0x2FFFF;
	_ =	strace $0x9FFFFFFF  }
0xc5: {  	(tm) =	ssettm $0x7FFFFFFF  }
tec
execute0_lowered:
.L_overlay_start_1:
0x0: {  	(tag) =	ssettag $0x1  }
0x1: {  	s0 =	rddreg [dreg:$0x0]  }
0x2: {  	s2 =	rddreg [dreg:$0x1]  }
0x3: {  	s7 =	rddreg [dreg:$0x2]  }
0x4: {  	s1 =	rddreg [dreg:$0x3];
	s3 =	simm.s32 $0x0  }
0x5: {  	s4 =	srdreg.scid;
	s6 =	stileid.u32;
	s11 =	simm.s32 $0x2C00  }
0x6: {  	s18 =	simm.s32 $0x3F40;
	s19 =	simm.s32 $0x3F48;
	s20 =	simm.s32 $0x3F50  }
0x7: {  	s21 =	simm.s32 $0x3F58;
	s22 =	simm.s32 $0x3F60;
	s23 =	simm.s32 $0x3F68  }
0x8: {  	s28 =	simm.s32 $0x3F88;
	s29 =	simm.s32 $0x3F90;
	s30 =	simm.s32 $0x3F98  }
0x9: {  	s31 =	simm.s32 $0x3FA0;
	s12 =	simm.s32 $0x3FB8;
	s13 =	simm.s32 $0x80  }
0xa: {  	s14 =	simm.s32 $0x1;
	s15 =	simm.s32 $0x0;
	[smem:$0x7FF] =	sst s3  }
0xb: {  	s4 =	sand.u32 $0x1, s4;
	s5 =	sshll.u32 s6, $0x1;
	s6 =	smul.u32 $0x13C0, s6  }
0xc: {  	s8 =	ssub.s32 $0x2, s4;
	s5 =	sor.u32 s4, s5;
	s9 =	smul.u32 $0x13C00, s4  }
0xd: {  	_ =	strace $0x80000047;
	s4 =	sadd.s32 $0x400, s2;
	s10 =	sshrl.u32 s8, $0x1  }
0xe: {  	s2 =	simm.s32 $0x3FB0;
	s5 =	smul.u32 $0x500, s5;
	s24 =	ssub.s32 s8, s10  }
0xf: {  	s25 =	sadd.s32 s6, s9;
	s6 =	sadd.s32 s6, s1;
	s9 =	simm.s32 $0x2  }
0x10: {  	s10 =	simm.s32 $0x2800;
	s5 =	sadd.s32 s0, s5;
	s26 =	sshrl.u32 s25, $0x3  }
0x11: {  	s8 =	smax.u32 s24, $0x1;
	s24 =	simm.s32 $0x3F70;
	s25 =	simm.s32 $0x3F78  }
0x12: {  	v0 =	vimm.f32 $0.0e+00;
	s0 =	simm.s32 $0x3FA8;
	s7 =	sadd.s32 s7, s26;
	s26 =	simm.s32 $0x3F80  }
.LBB2_1:
0x13: {  	[tilespmem:s3], [sflag:$0x2] =	stream.linear.gather [hbm4b:s5+s3], $0x2800, $0x38;
	[tilespmem:$0x5380] =	vst v63  }
0x14: {  	_ =	swait.ge [sflag:s9], $0x2800  }
0x15: {  	[sflag:s9] =	ssyncset.done $0x0  }
0x16: {  	[sflag:s9] =	ssyncadd.s32 $0xFFFFD800  }
0x17: {  	[tilespmem:s10], [sflag:$0x2] =	stream.linear.gather [hbm4b:s4+s3], $0x400, $0x38;
	[tilespmem:$0x5380] =	vst v63  }
0x18: {  	_ =	swait.ge [sflag:s9], $0x400  }
0x19: {  	[sflag:s9] =	ssyncset.done $0x0  }
0x1a: {  	[sflag:s9] =	ssyncadd.s32 $0xFFFFFC00  }
0x1b: {  	s16 =	simm.s32 $0x2C08;
	[tilespmem:s11+$0x0] =	vst.msk $0xff, v0  }
0x1c: {  	s17 =	simm.s32 $0x2C10;
	[tilespmem:s16+$0x0] =	vst.msk $0xff, v0  }
0x1d: {  	[tilespmem:s17+$0x0] =	vst.msk $0xff, v0;
	s17 =	simm.s32 $0x2C18  }
0x1e: {  	[tilespmem:s17+$0x0] =	vst.msk $0xff, v0;
	s17 =	simm.s32 $0x2C20  }
0x1f: {  	[tilespmem:s17+$0x0] =	vst.msk $0xff, v0;
	s17 =	simm.s32 $0x2C28  }
0x20: {  	[tilespmem:s17+$0x0] =	vst.msk $0xff, v0;
	s17 =	simm.s32 $0x2C30  }
0x21: {  	[tilespmem:s17+$0x0] =	vst.msk $0xff, v0;
	s17 =	simm.s32 $0x2C38  }
0x22: {  	[tilespmem:s17+$0x0] =	vst.msk $0xff, v0;
	s17 =	simm.s32 $0x2C40  }
0x23: {  	[tilespmem:s17+$0x0] =	vst.msk $0xff, v0;
	s17 =	simm.s32 $0x2C48  }
0x24: {  	[tilespmem:s17+$0x0] =	vst.msk $0xff, v0;
	s17 =	simm.s32 $0x2C50  }
0x25: {  	[tilespmem:s17+$0x0] =	vst.msk $0xff, v0;
	s17 =	simm.s32 $0x2C58  }
0x26: {  	[tilespmem:s17+$0x0] =	vst.msk $0xff, v0;
	s17 =	simm.s32 $0x2C60  }
0x27: {  	[tilespmem:s17+$0x0] =	vst.msk $0xff, v0;
	s17 =	simm.s32 $0x2C68  }
0x28: {  	[tilespmem:s17+$0x0] =	vst.msk $0xff, v0;
	s17 =	simm.s32 $0x2C70  }
0x29: {  	[tilespmem:s17+$0x0] =	vst.msk $0xff, v0;
	s17 =	simm.s32 $0x2C78  }
0x2a: {  	[tilespmem:s17+$0x0] =	vst.msk $0xff, v0;
	s17 =	simm.s32 $0x2C80  }
0x2b: {  	[tilespmem:s17+$0x0] =	vst.msk $0xff, v0;
	s17 =	simm.s32 $0x2C88  }
0x2c: {  	[tilespmem:s17+$0x0] =	vst.msk $0xff, v0;
	s17 =	simm.s32 $0x2C90  }
0x2d: {  	[tilespmem:s17+$0x0] =	vst.msk $0xff, v0;
	s17 =	simm.s32 $0x2C98  }
0x2e: {  	[tilespmem:s17+$0x0] =	vst.msk $0xff, v0;
	s17 =	simm.s32 $0x2CA0  }
0x2f: {  	[tilespmem:s17+$0x0] =	vst.msk $0xff, v0;
	s17 =	simm.s32 $0x2CA8  }
0x30: {  	[tilespmem:s17+$0x0] =	vst.msk $0xff, v0;
	s17 =	simm.s32 $0x2CB0  }
0x31: {  	[tilespmem:s17+$0x0] =	vst.msk $0xff, v0;
	s17 =	simm.s32 $0x2CB8  }
0x32: {  	[tilespmem:s17+$0x0] =	vst.msk $0xff, v0;
	s17 =	simm.s32 $0x2CC0  }
0x33: {  	[tilespmem:s17+$0x0] =	vst.msk $0xff, v0;
	s17 =	simm.s32 $0x2CC8  }
0x34: {  	[tilespmem:s17+$0x0] =	vst.msk $0xff, v0;
	s17 =	simm.s32 $0x2CD0  }
0x35: {  	[tilespmem:s17+$0x0] =	vst.msk $0xff, v0;
	s17 =	simm.s32 $0x2CD8  }
0x36: {  	[tilespmem:s17+$0x0] =	vst.msk $0xff, v0;
	s17 =	simm.s32 $0x2CE0  }
0x37: {  	[tilespmem:s17+$0x0] =	vst.msk $0xff, v0;
	s17 =	simm.s32 $0x2CE8  }
0x38: {  	[tilespmem:s17+$0x0] =	vst.msk $0xff, v0;
	s17 =	simm.s32 $0x2CF0  }
0x39: {  	[tilespmem:s17+$0x0] =	vst.msk $0xff, v0;
	s17 =	simm.s32 $0x2CF8  }
0x3a: {  	[tilespmem:s17+$0x0] =	vst.msk $0xff, v0;
	s17 =	simm.s32 $0x2D00  }
0x3b: {  	[tilespmem:s17+$0x0] =	vst.msk $0xff, v0;
	s17 =	simm.s32 $0x2D08  }
0x3c: {  	[tilespmem:s17+$0x0] =	vst.msk $0xff, v0;
	s17 =	simm.s32 $0x2D10  }
0x3d: {  	[tilespmem:s17+$0x0] =	vst.msk $0xff, v0;
	s17 =	simm.s32 $0x2D18  }
0x3e: {  	[tilespmem:s17+$0x0] =	vst.msk $0xff, v0;
	s17 =	simm.s32 $0x2D20  }
0x3f: {  	[tilespmem:s17+$0x0] =	vst.msk $0xff, v0;
	s17 =	simm.s32 $0x2D28  }
0x40: {  	[tilespmem:s17+$0x0] =	vst.msk $0xff, v0;
	s17 =	simm.s32 $0x2D30  }
0x41: {  	[tilespmem:s17+$0x0] =	vst.msk $0xff, v0;
	s17 =	simm.s32 $0x2D38  }
0x42: {  	[tilespmem:s17+$0x0] =	vst.msk $0xff, v0;
	s17 =	simm.s32 $0x2D40  }
0x43: {  	[tilespmem:s17+$0x0] =	vst.msk $0xff, v0;
	s17 =	simm.s32 $0x2D48  }
0x44: {  	[tilespmem:s17+$0x0] =	vst.msk $0xff, v0;
	s17 =	simm.s32 $0x2D50  }
0x45: {  	[tilespmem:s17+$0x0] =	vst.msk $0xff, v0;
	s17 =	simm.s32 $0x2D58  }
0x46: {  	[tilespmem:s17+$0x0] =	vst.msk $0xff, v0;
	s17 =	simm.s32 $0x2D60  }
0x47: {  	[tilespmem:s17+$0x0] =	vst.msk $0xff, v0;
	s17 =	simm.s32 $0x2D68  }
0x48: {  	[tilespmem:s17+$0x0] =	vst.msk $0xff, v0;
	s17 =	simm.s32 $0x2D70  }
0x49: {  	[tilespmem:s17+$0x0] =	vst.msk $0xff, v0;
	s17 =	simm.s32 $0x2D78  }
0x4a: {  	[tilespmem:s17+$0x0] =	vst.msk $0xff, v0;
	s17 =	simm.s32 $0x2D80  }
0x4b: {  	[tilespmem:s17+$0x0] =	vst.msk $0xff, v0;
	s17 =	simm.s32 $0x2D88  }
0x4c: {  	[tilespmem:s17+$0x0] =	vst.msk $0xff, v0;
	s17 =	simm.s32 $0x2D90  }
0x4d: {  	[tilespmem:s17+$0x0] =	vst.msk $0xff, v0;
	s17 =	simm.s32 $0x2D98  }
0x4e: {  	[tilespmem:s17+$0x0] =	vst.msk $0xff, v0;
	s17 =	simm.s32 $0x2DA0  }
0x4f: {  	[tilespmem:s17+$0x0] =	vst.msk $0xff, v0;
	s17 =	simm.s32 $0x2DA8  }
0x50: {  	[tilespmem:s17+$0x0] =	vst.msk $0xff, v0;
	s17 =	simm.s32 $0x2DB0  }
0x51: {  	[tilespmem:s17+$0x0] =	vst.msk $0xff, v0;
	s17 =	simm.s32 $0x2DB8  }
0x52: {  	[tilespmem:s17+$0x0] =	vst.msk $0xff, v0;
	s17 =	simm.s32 $0x2DC0  }
0x53: {  	[tilespmem:s17+$0x0] =	vst.msk $0xff, v0;
	s17 =	simm.s32 $0x2DC8  }
0x54: {  	[tilespmem:s17+$0x0] =	vst.msk $0xff, v0;
	s17 =	simm.s32 $0x2DD0  }
0x55: {  	[tilespmem:s17+$0x0] =	vst.msk $0xff, v0;
	s17 =	simm.s32 $0x2DD8  }
0x56: {  	[tilespmem:s17+$0x0] =	vst.msk $0xff, v0;
	s17 =	simm.s32 $0x2DE0  }
0x57: {  	[tilespmem:s17+$0x0] =	vst.msk $0xff, v0;
	s17 =	simm.s32 $0x2DE8  }
0x58: {  	[tilespmem:s17+$0x0] =	vst.msk $0xff, v0;
	s17 =	simm.s32 $0x2DF0  }
0x59: {  	[tilespmem:s17+$0x0] =	vst.msk $0xff, v0;
	s17 =	simm.s32 $0x2DF8  }
0x5a: {  	[tilespmem:s17+$0x0] =	vst.msk $0xff, v0;
	s17 =	simm.s32 $0x2E00  }
0x5b: {  	[tilespmem:s17+$0x0] =	vst.msk $0xff, v0;
	s17 =	simm.s32 $0x2E08  }
0x5c: {  	[tilespmem:s17+$0x0] =	vst.msk $0xff, v0;
	s17 =	simm.s32 $0x2E10  }
0x5d: {  	[tilespmem:s17+$0x0] =	vst.msk $0xff, v0;
	s17 =	simm.s32 $0x2E18  }
0x5e: {  	[tilespmem:s17+$0x0] =	vst.msk $0xff, v0;
	s17 =	simm.s32 $0x2E20  }
0x5f: {  	[tilespmem:s17+$0x0] =	vst.msk $0xff, v0;
	s17 =	simm.s32 $0x2E28  }
0x60: {  	[tilespmem:s17+$0x0] =	vst.msk $0xff, v0;
	s17 =	simm.s32 $0x2E30  }
0x61: {  	[tilespmem:s17+$0x0] =	vst.msk $0xff, v0;
	s17 =	simm.s32 $0x2E38  }
0x62: {  	[tilespmem:s17+$0x0] =	vst.msk $0xff, v0;
	s17 =	simm.s32 $0x2E40  }
0x63: {  	[tilespmem:s17+$0x0] =	vst.msk $0xff, v0;
	s17 =	simm.s32 $0x2E48  }
0x64: {  	[tilespmem:s17+$0x0] =	vst.msk $0xff, v0;
	s17 =	simm.s32 $0x2E50  }
0x65: {  	[tilespmem:s17+$0x0] =	vst.msk $0xff, v0;
	s17 =	simm.s32 $0x2E58  }
0x66: {  	[tilespmem:s17+$0x0] =	vst.msk $0xff, v0;
	s17 =	simm.s32 $0x2E60  }
0x67: {  	[tilespmem:s17+$0x0] =	vst.msk $0xff, v0;
	s17 =	simm.s32 $0x2E68  }
0x68: {  	[tilespmem:s17+$0x0] =	vst.msk $0xff, v0;
	s17 =	simm.s32 $0x2E70  }
0x69: {  	[tilespmem:s17+$0x0] =	vst.msk $0xff, v0;
	s17 =	simm.s32 $0x2E78  }
0x6a: {  	[tilespmem:s17+$0x0] =	vst.msk $0xff, v0;
	s17 =	simm.s32 $0x2E80  }
0x6b: {  	[tilespmem:s17+$0x0] =	vst.msk $0xff, v0;
	s17 =	simm.s32 $0x2E88  }
0x6c: {  	[tilespmem:s17+$0x0] =	vst.msk $0xff, v0;
	s17 =	simm.s32 $0x2E90  }
0x6d: {  	[tilespmem:s17+$0x0] =	vst.msk $0xff, v0;
	s17 =	simm.s32 $0x2E98  }
0x6e: {  	[tilespmem:s17+$0x0] =	vst.msk $0xff, v0;
	s17 =	simm.s32 $0x2EA0  }
0x6f: {  	[tilespmem:s17+$0x0] =	vst.msk $0xff, v0;
	s17 =	simm.s32 $0x2EA8  }
0x70: {  	[tilespmem:s17+$0x0] =	vst.msk $0xff, v0;
	s17 =	simm.s32 $0x2EB0  }
0x71: {  	[tilespmem:s17+$0x0] =	vst.msk $0xff, v0;
	s17 =	simm.s32 $0x2EB8  }
0x72: {  	[tilespmem:s17+$0x0] =	vst.msk $0xff, v0;
	s17 =	simm.s32 $0x2EC0  }
0x73: {  	[tilespmem:s17+$0x0] =	vst.msk $0xff, v0;
	s17 =	simm.s32 $0x2EC8  }
0x74: {  	[tilespmem:s17+$0x0] =	vst.msk $0xff, v0;
	s17 =	simm.s32 $0x2ED0  }
0x75: {  	[tilespmem:s17+$0x0] =	vst.msk $0xff, v0;
	s17 =	simm.s32 $0x2ED8  }
0x76: {  	[tilespmem:s17+$0x0] =	vst.msk $0xff, v0;
	s17 =	simm.s32 $0x2EE0  }
0x77: {  	[tilespmem:s17+$0x0] =	vst.msk $0xff, v0;
	s17 =	simm.s32 $0x2EE8  }
0x78: {  	[tilespmem:s17+$0x0] =	vst.msk $0xff, v0;
	s17 =	simm.s32 $0x2EF0  }
0x79: {  	[tilespmem:s17+$0x0] =	vst.msk $0xff, v0;
	s17 =	simm.s32 $0x2EF8  }
0x7a: {  	[tilespmem:s17+$0x0] =	vst.msk $0xff, v0;
	s17 =	simm.s32 $0x2F00  }
0x7b: {  	[tilespmem:s17+$0x0] =	vst.msk $0xff, v0;
	s17 =	simm.s32 $0x2F08  }
0x7c: {  	[tilespmem:s17+$0x0] =	vst.msk $0xff, v0;
	s17 =	simm.s32 $0x2F10  }
0x7d: {  	[tilespmem:s17+$0x0] =	vst.msk $0xff, v0;
	s17 =	simm.s32 $0x2F18  }
0x7e: {  	[tilespmem:s17+$0x0] =	vst.msk $0xff, v0;
	s17 =	simm.s32 $0x2F20  }
0x7f: {  	[tilespmem:s17+$0x0] =	vst.msk $0xff, v0;
	s17 =	simm.s32 $0x2F28  }
0x80: {  	[tilespmem:s17+$0x0] =	vst.msk $0xff, v0;
	s17 =	simm.s32 $0x2F30  }
0x81: {  	[tilespmem:s17+$0x0] =	vst.msk $0xff, v0;
	s17 =	simm.s32 $0x2F38  }
0x82: {  	[tilespmem:s17+$0x0] =	vst.msk $0xff, v0;
	s17 =	simm.s32 $0x2F40  }
0x83: {  	[tilespmem:s17+$0x0] =	vst.msk $0xff, v0;
	s17 =	simm.s32 $0x2F48  }
0x84: {  	[tilespmem:s17+$0x0] =	vst.msk $0xff, v0;
	s17 =	simm.s32 $0x2F50  }
0x85: {  	[tilespmem:s17+$0x0] =	vst.msk $0xff, v0;
	s17 =	simm.s32 $0x2F58  }
0x86: {  	[tilespmem:s17+$0x0] =	vst.msk $0xff, v0;
	s17 =	simm.s32 $0x2F60  }
0x87: {  	[tilespmem:s17+$0x0] =	vst.msk $0xff, v0;
	s17 =	simm.s32 $0x2F68  }
0x88: {  	[tilespmem:s17+$0x0] =	vst.msk $0xff, v0;
	s17 =	simm.s32 $0x2F70  }
0x89: {  	[tilespmem:s17+$0x0] =	vst.msk $0xff, v0;
	s17 =	simm.s32 $0x2F78  }
0x8a: {  	[tilespmem:s17+$0x0] =	vst.msk $0xff, v0;
	s17 =	simm.s32 $0x2F80  }
0x8b: {  	[tilespmem:s17+$0x0] =	vst.msk $0xff, v0;
	s17 =	simm.s32 $0x2F88  }
0x8c: {  	[tilespmem:s17+$0x0] =	vst.msk $0xff, v0;
	s17 =	simm.s32 $0x2F90  }
0x8d: {  	[tilespmem:s17+$0x0] =	vst.msk $0xff, v0;
	s17 =	simm.s32 $0x2F98  }
0x8e: {  	[tilespmem:s17+$0x0] =	vst.msk $0xff, v0;
	s17 =	simm.s32 $0x2FA0  }
0x8f: {  	[tilespmem:s17+$0x0] =	vst.msk $0xff, v0;
	s17 =	simm.s32 $0x2FA8  }
0x90: {  	[tilespmem:s17+$0x0] =	vst.msk $0xff, v0;
	s17 =	simm.s32 $0x2FB0  }
0x91: {  	[tilespmem:s17+$0x0] =	vst.msk $0xff, v0;
	s17 =	simm.s32 $0x2FB8  }
0x92: {  	[tilespmem:s17+$0x0] =	vst.msk $0xff, v0;
	s17 =	simm.s32 $0x2FC0  }
0x93: {  	[tilespmem:s17+$0x0] =	vst.msk $0xff, v0;
	s17 =	simm.s32 $0x2FC8  }
0x94: {  	[tilespmem:s17+$0x0] =	vst.msk $0xff, v0;
	s17 =	simm.s32 $0x2FD0  }
0x95: {  	[tilespmem:s17+$0x0] =	vst.msk $0xff, v0;
	s17 =	simm.s32 $0x2FD8  }
0x96: {  	[tilespmem:s17+$0x0] =	vst.msk $0xff, v0;
	s17 =	simm.s32 $0x2FE0  }
0x97: {  	[tilespmem:s17+$0x0] =	vst.msk $0xff, v0;
	s17 =	simm.s32 $0x2FE8  }
0x98: {  	[tilespmem:s17+$0x0] =	vst.msk $0xff, v0;
	s17 =	simm.s32 $0x2FF0  }
0x99: {  	[tilespmem:s17+$0x0] =	vst.msk $0xff, v0;
	s17 =	simm.s32 $0x2FF8  }
0x9a: {  	[tilespmem:s17+$0x0] =	vst.msk $0xff, v0;
	s17 =	simm.s32 $0x3000  }
0x9b: {  	[tilespmem:s17+$0x0] =	vst.msk $0xff, v0;
	s17 =	simm.s32 $0x3008  }
0x9c: {  	[tilespmem:s17+$0x0] =	vst.msk $0xff, v0;
	s17 =	simm.s32 $0x3010  }
0x9d: {  	[tilespmem:s17+$0x0] =	vst.msk $0xff, v0;
	s17 =	simm.s32 $0x3018  }
0x9e: {  	[tilespmem:s17+$0x0] =	vst.msk $0xff, v0;
	s17 =	simm.s32 $0x3020  }
0x9f: {  	[tilespmem:s17+$0x0] =	vst.msk $0xff, v0;
	s17 =	simm.s32 $0x3028  }
0xa0: {  	[tilespmem:s17+$0x0] =	vst.msk $0xff, v0;
	s17 =	simm.s32 $0x3030  }
0xa1: {  	[tilespmem:s17+$0x0] =	vst.msk $0xff, v0;
	s17 =	simm.s32 $0x3038  }
0xa2: {  	[tilespmem:s17+$0x0] =	vst.msk $0xff, v0;
	s17 =	simm.s32 $0x3040  }
0xa3: {  	[tilespmem:s17+$0x0] =	vst.msk $0xff, v0;
	s17 =	simm.s32 $0x3048  }
0xa4: {  	[tilespmem:s17+$0x0] =	vst.msk $0xff, v0;
	s17 =	simm.s32 $0x3050  }
0xa5: {  	[tilespmem:s17+$0x0] =	vst.msk $0xff, v0;
	s17 =	simm.s32 $0x3058  }
0xa6: {  	[tilespmem:s17+$0x0] =	vst.msk $0xff, v0;
	s17 =	simm.s32 $0x3060  }
0xa7: {  	[tilespmem:s17+$0x0] =	vst.msk $0xff, v0;
	s17 =	simm.s32 $0x3068  }
0xa8: {  	[tilespmem:s17+$0x0] =	vst.msk $0xff, v0;
	s17 =	simm.s32 $0x3070  }
0xa9: {  	[tilespmem:s17+$0x0] =	vst.msk $0xff, v0;
	s17 =	simm.s32 $0x3078  }
0xaa: {  	[tilespmem:s17+$0x0] =	vst.msk $0xff, v0;
	s17 =	simm.s32 $0x3080  }
0xab: {  	[tilespmem:s17+$0x0] =	vst.msk $0xff, v0;
	s17 =	simm.s32 $0x3088  }
0xac: {  	[tilespmem:s17+$0x0] =	vst.msk $0xff, v0;
	s17 =	simm.s32 $0x3090  }
0xad: {  	[tilespmem:s17+$0x0] =	vst.msk $0xff, v0;
	s17 =	simm.s32 $0x3098  }
0xae: {  	[tilespmem:s17+$0x0] =	vst.msk $0xff, v0;
	s17 =	simm.s32 $0x30A0  }
0xaf: {  	[tilespmem:s17+$0x0] =	vst.msk $0xff, v0;
	s17 =	simm.s32 $0x30A8  }
0xb0: {  	[tilespmem:s17+$0x0] =	vst.msk $0xff, v0;
	s17 =	simm.s32 $0x30B0  }
0xb1: {  	[tilespmem:s17+$0x0] =	vst.msk $0xff, v0;
	s17 =	simm.s32 $0x30B8  }
0xb2: {  	[tilespmem:s17+$0x0] =	vst.msk $0xff, v0;
	s17 =	simm.s32 $0x30C0  }
0xb3: {  	[tilespmem:s17+$0x0] =	vst.msk $0xff, v0;
	s17 =	simm.s32 $0x30C8  }
0xb4: {  	[tilespmem:s17+$0x0] =	vst.msk $0xff, v0;
	s17 =	simm.s32 $0x30D0  }
0xb5: {  	[tilespmem:s17+$0x0] =	vst.msk $0xff, v0;
	s17 =	simm.s32 $0x30D8  }
0xb6: {  	[tilespmem:s17+$0x0] =	vst.msk $0xff, v0;
	s17 =	simm.s32 $0x30E0  }
0xb7: {  	[tilespmem:s17+$0x0] =	vst.msk $0xff, v0;
	s17 =	simm.s32 $0x30E8  }
0xb8: {  	[tilespmem:s17+$0x0] =	vst.msk $0xff, v0;
	s17 =	simm.s32 $0x30F0  }
0xb9: {  	[tilespmem:s17+$0x0] =	vst.msk $0xff, v0;
	s17 =	simm.s32 $0x30F8  }
0xba: {  	[tilespmem:s17+$0x0] =	vst.msk $0xff, v0;
	s17 =	simm.s32 $0x3100  }
0xbb: {  	[tilespmem:s17+$0x0] =	vst.msk $0xff, v0;
	s17 =	simm.s32 $0x3108  }
0xbc: {  	[tilespmem:s17+$0x0] =	vst.msk $0xff, v0;
	s17 =	simm.s32 $0x3110  }
0xbd: {  	[tilespmem:s17+$0x0] =	vst.msk $0xff, v0;
	s17 =	simm.s32 $0x3118  }
0xbe: {  	[tilespmem:s17+$0x0] =	vst.msk $0xff, v0;
	s17 =	simm.s32 $0x3120  }
0xbf: {  	[tilespmem:s17+$0x0] =	vst.msk $0xff, v0;
	s17 =	simm.s32 $0x3128  }
0xc0: {  	[tilespmem:s17+$0x0] =	vst.msk $0xff, v0;
	s17 =	simm.s32 $0x3130  }
0xc1: {  	[tilespmem:s17+$0x0] =	vst.msk $0xff, v0;
	s17 =	simm.s32 $0x3138  }
0xc2: {  	[tilespmem:s17+$0x0] =	vst.msk $0xff, v0;
	s17 =	simm.s32 $0x3140  }
0xc3: {  	[tilespmem:s17+$0x0] =	vst.msk $0xff, v0;
	s17 =	simm.s32 $0x3148  }
0xc4: {  	[tilespmem:s17+$0x0] =	vst.msk $0xff, v0;
	s17 =	simm.s32 $0x3150  }
0xc5: {  	[tilespmem:s17+$0x0] =	vst.msk $0xff, v0;
	s17 =	simm.s32 $0x3158  }
0xc6: {  	[tilespmem:s17+$0x0] =	vst.msk $0xff, v0;
	s17 =	simm.s32 $0x3160  }
0xc7: {  	[tilespmem:s17+$0x0] =	vst.msk $0xff, v0;
	s17 =	simm.s32 $0x3168  }
0xc8: {  	[tilespmem:s17+$0x0] =	vst.msk $0xff, v0;
	s17 =	simm.s32 $0x3170  }
0xc9: {  	[tilespmem:s17+$0x0] =	vst.msk $0xff, v0;
	s17 =	simm.s32 $0x3178  }
0xca: {  	[tilespmem:s17+$0x0] =	vst.msk $0xff, v0;
	s17 =	simm.s32 $0x3180  }
0xcb: {  	[tilespmem:s17+$0x0] =	vst.msk $0xff, v0;
	s17 =	simm.s32 $0x3188  }
0xcc: {  	[tilespmem:s17+$0x0] =	vst.msk $0xff, v0;
	s17 =	simm.s32 $0x3190  }
0xcd: {  	[tilespmem:s17+$0x0] =	vst.msk $0xff, v0;
	s17 =	simm.s32 $0x3198  }
0xce: {  	[tilespmem:s17+$0x0] =	vst.msk $0xff, v0;
	s17 =	simm.s32 $0x31A0  }
0xcf: {  	[tilespmem:s17+$0x0] =	vst.msk $0xff, v0;
	s17 =	simm.s32 $0x31A8  }
0xd0: {  	[tilespmem:s17+$0x0] =	vst.msk $0xff, v0;
	s17 =	simm.s32 $0x31B0  }
0xd1: {  	[tilespmem:s17+$0x0] =	vst.msk $0xff, v0;
	s17 =	simm.s32 $0x31B8  }
0xd2: {  	[tilespmem:s17+$0x0] =	vst.msk $0xff, v0;
	s17 =	simm.s32 $0x31C0  }
0xd3: {  	[tilespmem:s17+$0x0] =	vst.msk $0xff, v0;
	s17 =	simm.s32 $0x31C8  }
0xd4: {  	[tilespmem:s17+$0x0] =	vst.msk $0xff, v0;
	s17 =	simm.s32 $0x31D0  }
0xd5: {  	[tilespmem:s17+$0x0] =	vst.msk $0xff, v0;
	s17 =	simm.s32 $0x31D8  }
0xd6: {  	[tilespmem:s17+$0x0] =	vst.msk $0xff, v0;
	s17 =	simm.s32 $0x31E0  }
0xd7: {  	[tilespmem:s17+$0x0] =	vst.msk $0xff, v0;
	s17 =	simm.s32 $0x31E8  }
0xd8: {  	[tilespmem:s17+$0x0] =	vst.msk $0xff, v0;
	s17 =	simm.s32 $0x31F0  }
0xd9: {  	[tilespmem:s17+$0x0] =	vst.msk $0xff, v0;
	s17 =	simm.s32 $0x31F8  }
0xda: {  	[tilespmem:s17+$0x0] =	vst.msk $0xff, v0;
	s17 =	simm.s32 $0x3200  }
0xdb: {  	[tilespmem:s17+$0x0] =	vst.msk $0xff, v0;
	s17 =	simm.s32 $0x3208  }
0xdc: {  	[tilespmem:s17+$0x0] =	vst.msk $0xff, v0;
	s17 =	simm.s32 $0x3210  }
0xdd: {  	[tilespmem:s17+$0x0] =	vst.msk $0xff, v0;
	s17 =	simm.s32 $0x3218  }
0xde: {  	[tilespmem:s17+$0x0] =	vst.msk $0xff, v0;
	s17 =	simm.s32 $0x3220  }
0xdf: {  	[tilespmem:s17+$0x0] =	vst.msk $0xff, v0;
	s17 =	simm.s32 $0x3228  }
0xe0: {  	[tilespmem:s17+$0x0] =	vst.msk $0xff, v0;
	s17 =	simm.s32 $0x3230  }
0xe1: {  	[tilespmem:s17+$0x0] =	vst.msk $0xff, v0;
	s17 =	simm.s32 $0x3238  }
0xe2: {  	[tilespmem:s17+$0x0] =	vst.msk $0xff, v0;
	s17 =	simm.s32 $0x3240  }
0xe3: {  	[tilespmem:s17+$0x0] =	vst.msk $0xff, v0;
	s17 =	simm.s32 $0x3248  }
0xe4: {  	[tilespmem:s17+$0x0] =	vst.msk $0xff, v0;
	s17 =	simm.s32 $0x3250  }
0xe5: {  	[tilespmem:s17+$0x0] =	vst.msk $0xff, v0;
	s17 =	simm.s32 $0x3258  }
0xe6: {  	[tilespmem:s17+$0x0] =	vst.msk $0xff, v0;
	s17 =	simm.s32 $0x3260  }
0xe7: {  	[tilespmem:s17+$0x0] =	vst.msk $0xff, v0;
	s17 =	simm.s32 $0x3268  }
0xe8: {  	[tilespmem:s17+$0x0] =	vst.msk $0xff, v0;
	s17 =	simm.s32 $0x3270  }
0xe9: {  	[tilespmem:s17+$0x0] =	vst.msk $0xff, v0;
	s17 =	simm.s32 $0x3278  }
0xea: {  	[tilespmem:s17+$0x0] =	vst.msk $0xff, v0;
	s17 =	simm.s32 $0x3280  }
0xeb: {  	[tilespmem:s17+$0x0] =	vst.msk $0xff, v0;
	s17 =	simm.s32 $0x3288  }
0xec: {  	[tilespmem:s17+$0x0] =	vst.msk $0xff, v0;
	s17 =	simm.s32 $0x3290  }
0xed: {  	[tilespmem:s17+$0x0] =	vst.msk $0xff, v0;
	s17 =	simm.s32 $0x3298  }
0xee: {  	[tilespmem:s17+$0x0] =	vst.msk $0xff, v0;
	s17 =	simm.s32 $0x32A0  }
0xef: {  	[tilespmem:s17+$0x0] =	vst.msk $0xff, v0;
	s17 =	simm.s32 $0x32A8  }
0xf0: {  	[tilespmem:s17+$0x0] =	vst.msk $0xff, v0;
	s17 =	simm.s32 $0x32B0  }
0xf1: {  	[tilespmem:s17+$0x0] =	vst.msk $0xff, v0;
	s17 =	simm.s32 $0x32B8  }
0xf2: {  	[tilespmem:s17+$0x0] =	vst.msk $0xff, v0;
	s17 =	simm.s32 $0x32C0  }
0xf3: {  	[tilespmem:s17+$0x0] =	vst.msk $0xff, v0;
	s17 =	simm.s32 $0x32C8  }
0xf4: {  	[tilespmem:s17+$0x0] =	vst.msk $0xff, v0;
	s17 =	simm.s32 $0x32D0  }
0xf5: {  	[tilespmem:s17+$0x0] =	vst.msk $0xff, v0;
	s17 =	simm.s32 $0x32D8  }
0xf6: {  	[tilespmem:s17+$0x0] =	vst.msk $0xff, v0;
	s17 =	simm.s32 $0x32E0  }
0xf7: {  	[tilespmem:s17+$0x0] =	vst.msk $0xff, v0;
	s17 =	simm.s32 $0x32E8  }
0xf8: {  	[tilespmem:s17+$0x0] =	vst.msk $0xff, v0;
	s17 =	simm.s32 $0x32F0  }
0xf9: {  	[tilespmem:s17+$0x0] =	vst.msk $0xff, v0;
	s17 =	simm.s32 $0x32F8  }
0xfa: {  	[tilespmem:s17+$0x0] =	vst.msk $0xff, v0;
	s17 =	simm.s32 $0x3300  }
0xfb: {  	[tilespmem:s17+$0x0] =	vst.msk $0xff, v0;
	s17 =	simm.s32 $0x3308  }
0xfc: {  	[tilespmem:s17+$0x0] =	vst.msk $0xff, v0;
	s17 =	simm.s32 $0x3310  }
0xfd: {  	[tilespmem:s17+$0x0] =	vst.msk $0xff, v0;
	s17 =	simm.s32 $0x3318  }
0xfe: {  	[tilespmem:s17+$0x0] =	vst.msk $0xff, v0;
	s17 =	simm.s32 $0x3320  }
0xff: {  	[tilespmem:s17+$0x0] =	vst.msk $0xff, v0;
	s17 =	simm.s32 $0x3328  }
0x100: {  	[tilespmem:s17+$0x0] =	vst.msk $0xff, v0;
	s17 =	simm.s32 $0x3330  }
0x101: {  	[tilespmem:s17+$0x0] =	vst.msk $0xff, v0;
	s17 =	simm.s32 $0x3338  }
0x102: {  	[tilespmem:s17+$0x0] =	vst.msk $0xff, v0;
	s17 =	simm.s32 $0x3340  }
0x103: {  	[tilespmem:s17+$0x0] =	vst.msk $0xff, v0;
	s17 =	simm.s32 $0x3348  }
0x104: {  	[tilespmem:s17+$0x0] =	vst.msk $0xff, v0;
	s17 =	simm.s32 $0x3350  }
0x105: {  	[tilespmem:s17+$0x0] =	vst.msk $0xff, v0;
	s17 =	simm.s32 $0x3358  }
0x106: {  	[tilespmem:s17+$0x0] =	vst.msk $0xff, v0;
	s17 =	simm.s32 $0x3360  }
0x107: {  	[tilespmem:s17+$0x0] =	vst.msk $0xff, v0;
	s17 =	simm.s32 $0x3368  }
0x108: {  	[tilespmem:s17+$0x0] =	vst.msk $0xff, v0;
	s17 =	simm.s32 $0x3370  }
0x109: {  	[tilespmem:s17+$0x0] =	vst.msk $0xff, v0;
	s17 =	simm.s32 $0x3378  }
0x10a: {  	[tilespmem:s17+$0x0] =	vst.msk $0xff, v0;
	s17 =	simm.s32 $0x3380  }
0x10b: {  	[tilespmem:s17+$0x0] =	vst.msk $0xff, v0;
	s17 =	simm.s32 $0x3388  }
0x10c: {  	[tilespmem:s17+$0x0] =	vst.msk $0xff, v0;
	s17 =	simm.s32 $0x3390  }
0x10d: {  	[tilespmem:s17+$0x0] =	vst.msk $0xff, v0;
	s17 =	simm.s32 $0x3398  }
0x10e: {  	[tilespmem:s17+$0x0] =	vst.msk $0xff, v0;
	s17 =	simm.s32 $0x33A0  }
0x10f: {  	[tilespmem:s17+$0x0] =	vst.msk $0xff, v0;
	s17 =	simm.s32 $0x33A8  }
0x110: {  	[tilespmem:s17+$0x0] =	vst.msk $0xff, v0;
	s17 =	simm.s32 $0x33B0  }
0x111: {  	[tilespmem:s17+$0x0] =	vst.msk $0xff, v0;
	s17 =	simm.s32 $0x33B8  }
0x112: {  	[tilespmem:s17+$0x0] =	vst.msk $0xff, v0;
	s17 =	simm.s32 $0x33C0  }
0x113: {  	[tilespmem:s17+$0x0] =	vst.msk $0xff, v0;
	s17 =	simm.s32 $0x33C8  }
0x114: {  	[tilespmem:s17+$0x0] =	vst.msk $0xff, v0;
	s17 =	simm.s32 $0x33D0  }
0x115: {  	[tilespmem:s17+$0x0] =	vst.msk $0xff, v0;
	s17 =	simm.s32 $0x33D8  }
0x116: {  	[tilespmem:s17+$0x0] =	vst.msk $0xff, v0;
	s17 =	simm.s32 $0x33E0  }
0x117: {  	[tilespmem:s17+$0x0] =	vst.msk $0xff, v0;
	s17 =	simm.s32 $0x33E8  }
0x118: {  	[tilespmem:s17+$0x0] =	vst.msk $0xff, v0;
	s17 =	simm.s32 $0x33F0  }
0x119: {  	[tilespmem:s17+$0x0] =	vst.msk $0xff, v0;
	s17 =	simm.s32 $0x33F8  }
0x11a: {  	[tilespmem:s17+$0x0] =	vst.msk $0xff, v0;
	s17 =	simm.s32 $0x3400  }
0x11b: {  	[tilespmem:s17+$0x0] =	vst.msk $0xff, v0;
	s17 =	simm.s32 $0x3408  }
0x11c: {  	[tilespmem:s17+$0x0] =	vst.msk $0xff, v0;
	s17 =	simm.s32 $0x3410  }
0x11d: {  	[tilespmem:s17+$0x0] =	vst.msk $0xff, v0;
	s17 =	simm.s32 $0x3418  }
0x11e: {  	[tilespmem:s17+$0x0] =	vst.msk $0xff, v0;
	s17 =	simm.s32 $0x3420  }
0x11f: {  	[tilespmem:s17+$0x0] =	vst.msk $0xff, v0;
	s17 =	simm.s32 $0x3428  }
0x120: {  	[tilespmem:s17+$0x0] =	vst.msk $0xff, v0;
	s17 =	simm.s32 $0x3430  }
0x121: {  	[tilespmem:s17+$0x0] =	vst.msk $0xff, v0;
	s17 =	simm.s32 $0x3438  }
0x122: {  	[tilespmem:s17+$0x0] =	vst.msk $0xff, v0;
	s17 =	simm.s32 $0x3440  }
0x123: {  	[tilespmem:s17+$0x0] =	vst.msk $0xff, v0;
	s17 =	simm.s32 $0x3448  }
0x124: {  	[tilespmem:s17+$0x0] =	vst.msk $0xff, v0;
	s17 =	simm.s32 $0x3450  }
0x125: {  	[tilespmem:s17+$0x0] =	vst.msk $0xff, v0;
	s17 =	simm.s32 $0x3458  }
0x126: {  	[tilespmem:s17+$0x0] =	vst.msk $0xff, v0;
	s17 =	simm.s32 $0x3460  }
0x127: {  	[tilespmem:s17+$0x0] =	vst.msk $0xff, v0;
	s17 =	simm.s32 $0x3468  }
0x128: {  	[tilespmem:s17+$0x0] =	vst.msk $0xff, v0;
	s17 =	simm.s32 $0x3470  }
0x129: {  	[tilespmem:s17+$0x0] =	vst.msk $0xff, v0;
	s17 =	simm.s32 $0x3478  }
0x12a: {  	[tilespmem:s17+$0x0] =	vst.msk $0xff, v0;
	s17 =	simm.s32 $0x3480  }
0x12b: {  	[tilespmem:s17+$0x0] =	vst.msk $0xff, v0;
	s17 =	simm.s32 $0x3488  }
0x12c: {  	[tilespmem:s17+$0x0] =	vst.msk $0xff, v0;
	s17 =	simm.s32 $0x3490  }
0x12d: {  	[tilespmem:s17+$0x0] =	vst.msk $0xff, v0;
	s17 =	simm.s32 $0x3498  }
0x12e: {  	[tilespmem:s17+$0x0] =	vst.msk $0xff, v0;
	s17 =	simm.s32 $0x34A0  }
0x12f: {  	[tilespmem:s17+$0x0] =	vst.msk $0xff, v0;
	s17 =	simm.s32 $0x34A8  }
0x130: {  	[tilespmem:s17+$0x0] =	vst.msk $0xff, v0;
	s17 =	simm.s32 $0x34B0  }
0x131: {  	[tilespmem:s17+$0x0] =	vst.msk $0xff, v0;
	s17 =	simm.s32 $0x34B8  }
0x132: {  	[tilespmem:s17+$0x0] =	vst.msk $0xff, v0;
	s17 =	simm.s32 $0x34C0  }
0x133: {  	[tilespmem:s17+$0x0] =	vst.msk $0xff, v0;
	s17 =	simm.s32 $0x34C8  }
0x134: {  	[tilespmem:s17+$0x0] =	vst.msk $0xff, v0;
	s17 =	simm.s32 $0x34D0  }
0x135: {  	[tilespmem:s17+$0x0] =	vst.msk $0xff, v0;
	s17 =	simm.s32 $0x34D8  }
0x136: {  	[tilespmem:s17+$0x0] =	vst.msk $0xff, v0;
	s17 =	simm.s32 $0x34E0  }
0x137: {  	[tilespmem:s17+$0x0] =	vst.msk $0xff, v0;
	s17 =	simm.s32 $0x34E8  }
0x138: {  	[tilespmem:s17+$0x0] =	vst.msk $0xff, v0;
	s17 =	simm.s32 $0x34F0  }
0x139: {  	[tilespmem:s17+$0x0] =	vst.msk $0xff, v0;
	s17 =	simm.s32 $0x34F8  }
0x13a: {  	[tilespmem:s17+$0x0] =	vst.msk $0xff, v0;
	s17 =	simm.s32 $0x3500  }
0x13b: {  	[tilespmem:s17+$0x0] =	vst.msk $0xff, v0;
	s17 =	simm.s32 $0x3508  }
0x13c: {  	[tilespmem:s17+$0x0] =	vst.msk $0xff, v0;
	s17 =	simm.s32 $0x3510  }
0x13d: {  	[tilespmem:s17+$0x0] =	vst.msk $0xff, v0;
	s17 =	simm.s32 $0x3518  }
0x13e: {  	[tilespmem:s17+$0x0] =	vst.msk $0xff, v0;
	s17 =	simm.s32 $0x3520  }
0x13f: {  	[tilespmem:s17+$0x0] =	vst.msk $0xff, v0;
	s17 =	simm.s32 $0x3528  }
0x140: {  	[tilespmem:s17+$0x0] =	vst.msk $0xff, v0;
	s17 =	simm.s32 $0x3530  }
0x141: {  	[tilespmem:s17+$0x0] =	vst.msk $0xff, v0;
	s17 =	simm.s32 $0x3538  }
0x142: {  	[tilespmem:s17+$0x0] =	vst.msk $0xff, v0;
	s17 =	simm.s32 $0x3540  }
0x143: {  	[tilespmem:s17+$0x0] =	vst.msk $0xff, v0;
	s17 =	simm.s32 $0x3548  }
0x144: {  	[tilespmem:s17+$0x0] =	vst.msk $0xff, v0;
	s17 =	simm.s32 $0x3550  }
0x145: {  	[tilespmem:s17+$0x0] =	vst.msk $0xff, v0;
	s17 =	simm.s32 $0x3558  }
0x146: {  	[tilespmem:s17+$0x0] =	vst.msk $0xff, v0;
	s17 =	simm.s32 $0x3560  }
0x147: {  	[tilespmem:s17+$0x0] =	vst.msk $0xff, v0;
	s17 =	simm.s32 $0x3568  }
0x148: {  	[tilespmem:s17+$0x0] =	vst.msk $0xff, v0;
	s17 =	simm.s32 $0x3570  }
0x149: {  	[tilespmem:s17+$0x0] =	vst.msk $0xff, v0;
	s17 =	simm.s32 $0x3578  }
0x14a: {  	[tilespmem:s17+$0x0] =	vst.msk $0xff, v0;
	s17 =	simm.s32 $0x3580  }
0x14b: {  	[tilespmem:s17+$0x0] =	vst.msk $0xff, v0;
	s17 =	simm.s32 $0x3588  }
0x14c: {  	[tilespmem:s17+$0x0] =	vst.msk $0xff, v0;
	s17 =	simm.s32 $0x3590  }
0x14d: {  	[tilespmem:s17+$0x0] =	vst.msk $0xff, v0;
	s17 =	simm.s32 $0x3598  }
0x14e: {  	[tilespmem:s17+$0x0] =	vst.msk $0xff, v0;
	s17 =	simm.s32 $0x35A0  }
0x14f: {  	[tilespmem:s17+$0x0] =	vst.msk $0xff, v0;
	s17 =	simm.s32 $0x35A8  }
0x150: {  	[tilespmem:s17+$0x0] =	vst.msk $0xff, v0;
	s17 =	simm.s32 $0x35B0  }
0x151: {  	[tilespmem:s17+$0x0] =	vst.msk $0xff, v0;
	s17 =	simm.s32 $0x35B8  }
0x152: {  	[tilespmem:s17+$0x0] =	vst.msk $0xff, v0;
	s17 =	simm.s32 $0x35C0  }
0x153: {  	[tilespmem:s17+$0x0] =	vst.msk $0xff, v0;
	s17 =	simm.s32 $0x35C8  }
0x154: {  	[tilespmem:s17+$0x0] =	vst.msk $0xff, v0;
	s17 =	simm.s32 $0x35D0  }
0x155: {  	[tilespmem:s17+$0x0] =	vst.msk $0xff, v0;
	s17 =	simm.s32 $0x35D8  }
0x156: {  	[tilespmem:s17+$0x0] =	vst.msk $0xff, v0;
	s17 =	simm.s32 $0x35E0  }
0x157: {  	[tilespmem:s17+$0x0] =	vst.msk $0xff, v0;
	s17 =	simm.s32 $0x35E8  }
0x158: {  	[tilespmem:s17+$0x0] =	vst.msk $0xff, v0;
	s17 =	simm.s32 $0x35F0  }
0x159: {  	[tilespmem:s17+$0x0] =	vst.msk $0xff, v0;
	s17 =	simm.s32 $0x35F8  }
0x15a: {  	[tilespmem:s17+$0x0] =	vst.msk $0xff, v0;
	s17 =	simm.s32 $0x3600  }
0x15b: {  	[tilespmem:s17+$0x0] =	vst.msk $0xff, v0;
	s17 =	simm.s32 $0x3608  }
0x15c: {  	[tilespmem:s17+$0x0] =	vst.msk $0xff, v0;
	s17 =	simm.s32 $0x3610  }
0x15d: {  	[tilespmem:s17+$0x0] =	vst.msk $0xff, v0;
	s17 =	simm.s32 $0x3618  }
0x15e: {  	[tilespmem:s17+$0x0] =	vst.msk $0xff, v0;
	s17 =	simm.s32 $0x3620  }
0x15f: {  	[tilespmem:s17+$0x0] =	vst.msk $0xff, v0;
	s17 =	simm.s32 $0x3628  }
0x160: {  	[tilespmem:s17+$0x0] =	vst.msk $0xff, v0;
	s17 =	simm.s32 $0x3630  }
0x161: {  	[tilespmem:s17+$0x0] =	vst.msk $0xff, v0;
	s17 =	simm.s32 $0x3638  }
0x162: {  	[tilespmem:s17+$0x0] =	vst.msk $0xff, v0;
	s17 =	simm.s32 $0x3640  }
0x163: {  	[tilespmem:s17+$0x0] =	vst.msk $0xff, v0;
	s17 =	simm.s32 $0x3648  }
0x164: {  	[tilespmem:s17+$0x0] =	vst.msk $0xff, v0;
	s17 =	simm.s32 $0x3650  }
0x165: {  	[tilespmem:s17+$0x0] =	vst.msk $0xff, v0;
	s17 =	simm.s32 $0x3658  }
0x166: {  	[tilespmem:s17+$0x0] =	vst.msk $0xff, v0;
	s17 =	simm.s32 $0x3660  }
0x167: {  	[tilespmem:s17+$0x0] =	vst.msk $0xff, v0;
	s17 =	simm.s32 $0x3668  }
0x168: {  	[tilespmem:s17+$0x0] =	vst.msk $0xff, v0;
	s17 =	simm.s32 $0x3670  }
0x169: {  	[tilespmem:s17+$0x0] =	vst.msk $0xff, v0;
	s17 =	simm.s32 $0x3678  }
0x16a: {  	[tilespmem:s17+$0x0] =	vst.msk $0xff, v0;
	s17 =	simm.s32 $0x3680  }
0x16b: {  	[tilespmem:s17+$0x0] =	vst.msk $0xff, v0;
	s17 =	simm.s32 $0x3688  }
0x16c: {  	[tilespmem:s17+$0x0] =	vst.msk $0xff, v0;
	s17 =	simm.s32 $0x3690  }
0x16d: {  	[tilespmem:s17+$0x0] =	vst.msk $0xff, v0;
	s17 =	simm.s32 $0x3698  }
0x16e: {  	[tilespmem:s17+$0x0] =	vst.msk $0xff, v0;
	s17 =	simm.s32 $0x36A0  }
0x16f: {  	[tilespmem:s17+$0x0] =	vst.msk $0xff, v0;
	s17 =	simm.s32 $0x36A8  }
0x170: {  	[tilespmem:s17+$0x0] =	vst.msk $0xff, v0;
	s17 =	simm.s32 $0x36B0  }
0x171: {  	[tilespmem:s17+$0x0] =	vst.msk $0xff, v0;
	s17 =	simm.s32 $0x36B8  }
0x172: {  	[tilespmem:s17+$0x0] =	vst.msk $0xff, v0;
	s17 =	simm.s32 $0x36C0  }
0x173: {  	[tilespmem:s17+$0x0] =	vst.msk $0xff, v0;
	s17 =	simm.s32 $0x36C8  }
0x174: {  	[tilespmem:s17+$0x0] =	vst.msk $0xff, v0;
	s17 =	simm.s32 $0x36D0  }
0x175: {  	[tilespmem:s17+$0x0] =	vst.msk $0xff, v0;
	s17 =	simm.s32 $0x36D8  }
0x176: {  	[tilespmem:s17+$0x0] =	vst.msk $0xff, v0;
	s17 =	simm.s32 $0x36E0  }
0x177: {  	[tilespmem:s17+$0x0] =	vst.msk $0xff, v0;
	s17 =	simm.s32 $0x36E8  }
0x178: {  	[tilespmem:s17+$0x0] =	vst.msk $0xff, v0;
	s17 =	simm.s32 $0x36F0  }
0x179: {  	[tilespmem:s17+$0x0] =	vst.msk $0xff, v0;
	s17 =	simm.s32 $0x36F8  }
0x17a: {  	[tilespmem:s17+$0x0] =	vst.msk $0xff, v0;
	s17 =	simm.s32 $0x3700  }
0x17b: {  	[tilespmem:s17+$0x0] =	vst.msk $0xff, v0;
	s17 =	simm.s32 $0x3708  }
0x17c: {  	[tilespmem:s17+$0x0] =	vst.msk $0xff, v0;
	s17 =	simm.s32 $0x3710  }
0x17d: {  	[tilespmem:s17+$0x0] =	vst.msk $0xff, v0;
	s17 =	simm.s32 $0x3718  }
0x17e: {  	[tilespmem:s17+$0x0] =	vst.msk $0xff, v0;
	s17 =	simm.s32 $0x3720  }
0x17f: {  	[tilespmem:s17+$0x0] =	vst.msk $0xff, v0;
	s17 =	simm.s32 $0x3728  }
0x180: {  	[tilespmem:s17+$0x0] =	vst.msk $0xff, v0;
	s17 =	simm.s32 $0x3730  }
0x181: {  	[tilespmem:s17+$0x0] =	vst.msk $0xff, v0;
	s17 =	simm.s32 $0x3738  }
0x182: {  	[tilespmem:s17+$0x0] =	vst.msk $0xff, v0;
	s17 =	simm.s32 $0x3740  }
0x183: {  	[tilespmem:s17+$0x0] =	vst.msk $0xff, v0;
	s17 =	simm.s32 $0x3748  }
0x184: {  	[tilespmem:s17+$0x0] =	vst.msk $0xff, v0;
	s17 =	simm.s32 $0x3750  }
0x185: {  	[tilespmem:s17+$0x0] =	vst.msk $0xff, v0;
	s17 =	simm.s32 $0x3758  }
0x186: {  	[tilespmem:s17+$0x0] =	vst.msk $0xff, v0;
	s17 =	simm.s32 $0x3760  }
0x187: {  	[tilespmem:s17+$0x0] =	vst.msk $0xff, v0;
	s17 =	simm.s32 $0x3768  }
0x188: {  	[tilespmem:s17+$0x0] =	vst.msk $0xff, v0;
	s17 =	simm.s32 $0x3770  }
0x189: {  	[tilespmem:s17+$0x0] =	vst.msk $0xff, v0;
	s17 =	simm.s32 $0x3778  }
0x18a: {  	[tilespmem:s17+$0x0] =	vst.msk $0xff, v0;
	s17 =	simm.s32 $0x3780  }
0x18b: {  	[tilespmem:s17+$0x0] =	vst.msk $0xff, v0;
	s17 =	simm.s32 $0x3788  }
0x18c: {  	[tilespmem:s17+$0x0] =	vst.msk $0xff, v0;
	s17 =	simm.s32 $0x3790  }
0x18d: {  	[tilespmem:s17+$0x0] =	vst.msk $0xff, v0;
	s17 =	simm.s32 $0x3798  }
0x18e: {  	[tilespmem:s17+$0x0] =	vst.msk $0xff, v0;
	s17 =	simm.s32 $0x37A0  }
0x18f: {  	[tilespmem:s17+$0x0] =	vst.msk $0xff, v0;
	s17 =	simm.s32 $0x37A8  }
0x190: {  	[tilespmem:s17+$0x0] =	vst.msk $0xff, v0;
	s17 =	simm.s32 $0x37B0  }
0x191: {  	[tilespmem:s17+$0x0] =	vst.msk $0xff, v0;
	s17 =	simm.s32 $0x37B8  }
0x192: {  	[tilespmem:s17+$0x0] =	vst.msk $0xff, v0;
	s17 =	simm.s32 $0x37C0  }
0x193: {  	[tilespmem:s17+$0x0] =	vst.msk $0xff, v0;
	s17 =	simm.s32 $0x37C8  }
0x194: {  	[tilespmem:s17+$0x0] =	vst.msk $0xff, v0;
	s17 =	simm.s32 $0x37D0  }
0x195: {  	[tilespmem:s17+$0x0] =	vst.msk $0xff, v0;
	s17 =	simm.s32 $0x37D8  }
0x196: {  	[tilespmem:s17+$0x0] =	vst.msk $0xff, v0;
	s17 =	simm.s32 $0x37E0  }
0x197: {  	[tilespmem:s17+$0x0] =	vst.msk $0xff, v0;
	s17 =	simm.s32 $0x37E8  }
0x198: {  	[tilespmem:s17+$0x0] =	vst.msk $0xff, v0;
	s17 =	simm.s32 $0x37F0  }
0x199: {  	[tilespmem:s17+$0x0] =	vst.msk $0xff, v0;
	s17 =	simm.s32 $0x37F8  }
0x19a: {  	[tilespmem:s17+$0x0] =	vst.msk $0xff, v0;
	s17 =	simm.s32 $0x3800  }
0x19b: {  	[tilespmem:s17+$0x0] =	vst.msk $0xff, v0;
	s17 =	simm.s32 $0x3808  }
0x19c: {  	[tilespmem:s17+$0x0] =	vst.msk $0xff, v0;
	s17 =	simm.s32 $0x3810  }
0x19d: {  	[tilespmem:s17+$0x0] =	vst.msk $0xff, v0;
	s17 =	simm.s32 $0x3818  }
0x19e: {  	[tilespmem:s17+$0x0] =	vst.msk $0xff, v0;
	s17 =	simm.s32 $0x3820  }
0x19f: {  	[tilespmem:s17+$0x0] =	vst.msk $0xff, v0;
	s17 =	simm.s32 $0x3828  }
0x1a0: {  	[tilespmem:s17+$0x0] =	vst.msk $0xff, v0;
	s17 =	simm.s32 $0x3830  }
0x1a1: {  	[tilespmem:s17+$0x0] =	vst.msk $0xff, v0;
	s17 =	simm.s32 $0x3838  }
0x1a2: {  	[tilespmem:s17+$0x0] =	vst.msk $0xff, v0;
	s17 =	simm.s32 $0x3840  }
0x1a3: {  	[tilespmem:s17+$0x0] =	vst.msk $0xff, v0;
	s17 =	simm.s32 $0x3848  }
0x1a4: {  	[tilespmem:s17+$0x0] =	vst.msk $0xff, v0;
	s17 =	simm.s32 $0x3850  }
0x1a5: {  	[tilespmem:s17+$0x0] =	vst.msk $0xff, v0;
	s17 =	simm.s32 $0x3858  }
0x1a6: {  	[tilespmem:s17+$0x0] =	vst.msk $0xff, v0;
	s17 =	simm.s32 $0x3860  }
0x1a7: {  	[tilespmem:s17+$0x0] =	vst.msk $0xff, v0;
	s17 =	simm.s32 $0x3868  }
0x1a8: {  	[tilespmem:s17+$0x0] =	vst.msk $0xff, v0;
	s17 =	simm.s32 $0x3870  }
0x1a9: {  	[tilespmem:s17+$0x0] =	vst.msk $0xff, v0;
	s17 =	simm.s32 $0x3878  }
0x1aa: {  	[tilespmem:s17+$0x0] =	vst.msk $0xff, v0;
	s17 =	simm.s32 $0x3880  }
0x1ab: {  	[tilespmem:s17+$0x0] =	vst.msk $0xff, v0;
	s17 =	simm.s32 $0x3888  }
0x1ac: {  	[tilespmem:s17+$0x0] =	vst.msk $0xff, v0;
	s17 =	simm.s32 $0x3890  }
0x1ad: {  	[tilespmem:s17+$0x0] =	vst.msk $0xff, v0;
	s17 =	simm.s32 $0x3898  }
0x1ae: {  	[tilespmem:s17+$0x0] =	vst.msk $0xff, v0;
	s17 =	simm.s32 $0x38A0  }
0x1af: {  	[tilespmem:s17+$0x0] =	vst.msk $0xff, v0;
	s17 =	simm.s32 $0x38A8  }
0x1b0: {  	[tilespmem:s17+$0x0] =	vst.msk $0xff, v0;
	s17 =	simm.s32 $0x38B0  }
0x1b1: {  	[tilespmem:s17+$0x0] =	vst.msk $0xff, v0;
	s17 =	simm.s32 $0x38B8  }
0x1b2: {  	[tilespmem:s17+$0x0] =	vst.msk $0xff, v0;
	s17 =	simm.s32 $0x38C0  }
0x1b3: {  	[tilespmem:s17+$0x0] =	vst.msk $0xff, v0;
	s17 =	simm.s32 $0x38C8  }
0x1b4: {  	[tilespmem:s17+$0x0] =	vst.msk $0xff, v0;
	s17 =	simm.s32 $0x38D0  }
0x1b5: {  	[tilespmem:s17+$0x0] =	vst.msk $0xff, v0;
	s17 =	simm.s32 $0x38D8  }
0x1b6: {  	[tilespmem:s17+$0x0] =	vst.msk $0xff, v0;
	s17 =	simm.s32 $0x38E0  }
0x1b7: {  	[tilespmem:s17+$0x0] =	vst.msk $0xff, v0;
	s17 =	simm.s32 $0x38E8  }
0x1b8: {  	[tilespmem:s17+$0x0] =	vst.msk $0xff, v0;
	s17 =	simm.s32 $0x38F0  }
0x1b9: {  	[tilespmem:s17+$0x0] =	vst.msk $0xff, v0;
	s17 =	simm.s32 $0x38F8  }
0x1ba: {  	[tilespmem:s17+$0x0] =	vst.msk $0xff, v0;
	s17 =	simm.s32 $0x3900  }
0x1bb: {  	[tilespmem:s17+$0x0] =	vst.msk $0xff, v0;
	s17 =	simm.s32 $0x3908  }
0x1bc: {  	[tilespmem:s17+$0x0] =	vst.msk $0xff, v0;
	s17 =	simm.s32 $0x3910  }
0x1bd: {  	[tilespmem:s17+$0x0] =	vst.msk $0xff, v0;
	s17 =	simm.s32 $0x3918  }
0x1be: {  	[tilespmem:s17+$0x0] =	vst.msk $0xff, v0;
	s17 =	simm.s32 $0x3920  }
0x1bf: {  	[tilespmem:s17+$0x0] =	vst.msk $0xff, v0;
	s17 =	simm.s32 $0x3928  }
0x1c0: {  	[tilespmem:s17+$0x0] =	vst.msk $0xff, v0;
	s17 =	simm.s32 $0x3930  }
0x1c1: {  	[tilespmem:s17+$0x0] =	vst.msk $0xff, v0;
	s17 =	simm.s32 $0x3938  }
0x1c2: {  	[tilespmem:s17+$0x0] =	vst.msk $0xff, v0;
	s17 =	simm.s32 $0x3940  }
0x1c3: {  	[tilespmem:s17+$0x0] =	vst.msk $0xff, v0;
	s17 =	simm.s32 $0x3948  }
0x1c4: {  	[tilespmem:s17+$0x0] =	vst.msk $0xff, v0;
	s17 =	simm.s32 $0x3950  }
0x1c5: {  	[tilespmem:s17+$0x0] =	vst.msk $0xff, v0;
	s17 =	simm.s32 $0x3958  }
0x1c6: {  	[tilespmem:s17+$0x0] =	vst.msk $0xff, v0;
	s17 =	simm.s32 $0x3960  }
0x1c7: {  	[tilespmem:s17+$0x0] =	vst.msk $0xff, v0;
	s17 =	simm.s32 $0x3968  }
0x1c8: {  	[tilespmem:s17+$0x0] =	vst.msk $0xff, v0;
	s17 =	simm.s32 $0x3970  }
0x1c9: {  	[tilespmem:s17+$0x0] =	vst.msk $0xff, v0;
	s17 =	simm.s32 $0x3978  }
0x1ca: {  	[tilespmem:s17+$0x0] =	vst.msk $0xff, v0;
	s17 =	simm.s32 $0x3980  }
0x1cb: {  	[tilespmem:s17+$0x0] =	vst.msk $0xff, v0;
	s17 =	simm.s32 $0x3988  }
0x1cc: {  	[tilespmem:s17+$0x0] =	vst.msk $0xff, v0;
	s17 =	simm.s32 $0x3990  }
0x1cd: {  	[tilespmem:s17+$0x0] =	vst.msk $0xff, v0;
	s17 =	simm.s32 $0x3998  }
0x1ce: {  	[tilespmem:s17+$0x0] =	vst.msk $0xff, v0;
	s17 =	simm.s32 $0x39A0  }
0x1cf: {  	[tilespmem:s17+$0x0] =	vst.msk $0xff, v0;
	s17 =	simm.s32 $0x39A8  }
0x1d0: {  	[tilespmem:s17+$0x0] =	vst.msk $0xff, v0;
	s17 =	simm.s32 $0x39B0  }
0x1d1: {  	[tilespmem:s17+$0x0] =	vst.msk $0xff, v0;
	s17 =	simm.s32 $0x39B8  }
0x1d2: {  	[tilespmem:s17+$0x0] =	vst.msk $0xff, v0;
	s17 =	simm.s32 $0x39C0  }
0x1d3: {  	[tilespmem:s17+$0x0] =	vst.msk $0xff, v0;
	s17 =	simm.s32 $0x39C8  }
0x1d4: {  	[tilespmem:s17+$0x0] =	vst.msk $0xff, v0;
	s17 =	simm.s32 $0x39D0  }
0x1d5: {  	[tilespmem:s17+$0x0] =	vst.msk $0xff, v0;
	s17 =	simm.s32 $0x39D8  }
0x1d6: {  	[tilespmem:s17+$0x0] =	vst.msk $0xff, v0;
	s17 =	simm.s32 $0x39E0  }
0x1d7: {  	[tilespmem:s17+$0x0] =	vst.msk $0xff, v0;
	s17 =	simm.s32 $0x39E8  }
0x1d8: {  	[tilespmem:s17+$0x0] =	vst.msk $0xff, v0;
	s17 =	simm.s32 $0x39F0  }
0x1d9: {  	[tilespmem:s17+$0x0] =	vst.msk $0xff, v0;
	s17 =	simm.s32 $0x39F8  }
0x1da: {  	[tilespmem:s17+$0x0] =	vst.msk $0xff, v0;
	s17 =	simm.s32 $0x3A00  }
0x1db: {  	[tilespmem:s17+$0x0] =	vst.msk $0xff, v0;
	s17 =	simm.s32 $0x3A08  }
0x1dc: {  	[tilespmem:s17+$0x0] =	vst.msk $0xff, v0;
	s17 =	simm.s32 $0x3A10  }
0x1dd: {  	[tilespmem:s17+$0x0] =	vst.msk $0xff, v0;
	s17 =	simm.s32 $0x3A18  }
0x1de: {  	[tilespmem:s17+$0x0] =	vst.msk $0xff, v0;
	s17 =	simm.s32 $0x3A20  }
0x1df: {  	[tilespmem:s17+$0x0] =	vst.msk $0xff, v0;
	s17 =	simm.s32 $0x3A28  }
0x1e0: {  	[tilespmem:s17+$0x0] =	vst.msk $0xff, v0;
	s17 =	simm.s32 $0x3A30  }
0x1e1: {  	[tilespmem:s17+$0x0] =	vst.msk $0xff, v0;
	s17 =	simm.s32 $0x3A38  }
0x1e2: {  	[tilespmem:s17+$0x0] =	vst.msk $0xff, v0;
	s17 =	simm.s32 $0x3A40  }
0x1e3: {  	[tilespmem:s17+$0x0] =	vst.msk $0xff, v0;
	s17 =	simm.s32 $0x3A48  }
0x1e4: {  	[tilespmem:s17+$0x0] =	vst.msk $0xff, v0;
	s17 =	simm.s32 $0x3A50  }
0x1e5: {  	[tilespmem:s17+$0x0] =	vst.msk $0xff, v0;
	s17 =	simm.s32 $0x3A58  }
0x1e6: {  	[tilespmem:s17+$0x0] =	vst.msk $0xff, v0;
	s17 =	simm.s32 $0x3A60  }
0x1e7: {  	[tilespmem:s17+$0x0] =	vst.msk $0xff, v0;
	s17 =	simm.s32 $0x3A68  }
0x1e8: {  	[tilespmem:s17+$0x0] =	vst.msk $0xff, v0;
	s17 =	simm.s32 $0x3A70  }
0x1e9: {  	[tilespmem:s17+$0x0] =	vst.msk $0xff, v0;
	s17 =	simm.s32 $0x3A78  }
0x1ea: {  	[tilespmem:s17+$0x0] =	vst.msk $0xff, v0;
	s17 =	simm.s32 $0x3A80  }
0x1eb: {  	[tilespmem:s17+$0x0] =	vst.msk $0xff, v0;
	s17 =	simm.s32 $0x3A88  }
0x1ec: {  	[tilespmem:s17+$0x0] =	vst.msk $0xff, v0;
	s17 =	simm.s32 $0x3A90  }
0x1ed: {  	[tilespmem:s17+$0x0] =	vst.msk $0xff, v0;
	s17 =	simm.s32 $0x3A98  }
0x1ee: {  	[tilespmem:s17+$0x0] =	vst.msk $0xff, v0;
	s17 =	simm.s32 $0x3AA0  }
0x1ef: {  	[tilespmem:s17+$0x0] =	vst.msk $0xff, v0;
	s17 =	simm.s32 $0x3AA8  }
0x1f0: {  	[tilespmem:s17+$0x0] =	vst.msk $0xff, v0;
	s17 =	simm.s32 $0x3AB0  }
0x1f1: {  	[tilespmem:s17+$0x0] =	vst.msk $0xff, v0;
	s17 =	simm.s32 $0x3AB8  }
0x1f2: {  	[tilespmem:s17+$0x0] =	vst.msk $0xff, v0;
	s17 =	simm.s32 $0x3AC0  }
0x1f3: {  	[tilespmem:s17+$0x0] =	vst.msk $0xff, v0;
	s17 =	simm.s32 $0x3AC8  }
0x1f4: {  	[tilespmem:s17+$0x0] =	vst.msk $0xff, v0;
	s17 =	simm.s32 $0x3AD0  }
0x1f5: {  	[tilespmem:s17+$0x0] =	vst.msk $0xff, v0;
	s17 =	simm.s32 $0x3AD8  }
0x1f6: {  	[tilespmem:s17+$0x0] =	vst.msk $0xff, v0;
	s17 =	simm.s32 $0x3AE0  }
0x1f7: {  	[tilespmem:s17+$0x0] =	vst.msk $0xff, v0;
	s17 =	simm.s32 $0x3AE8  }
0x1f8: {  	[tilespmem:s17+$0x0] =	vst.msk $0xff, v0;
	s17 =	simm.s32 $0x3AF0  }
0x1f9: {  	[tilespmem:s17+$0x0] =	vst.msk $0xff, v0;
	s17 =	simm.s32 $0x3AF8  }
0x1fa: {  	[tilespmem:s17+$0x0] =	vst.msk $0xff, v0;
	s17 =	simm.s32 $0x3B00  }
0x1fb: {  	[tilespmem:s17+$0x0] =	vst.msk $0xff, v0;
	s17 =	simm.s32 $0x3B08  }
0x1fc: {  	[tilespmem:s17+$0x0] =	vst.msk $0xff, v0;
	s17 =	simm.s32 $0x3B10  }
0x1fd: {  	[tilespmem:s17+$0x0] =	vst.msk $0xff, v0;
	s17 =	simm.s32 $0x3B18  }
0x1fe: {  	[tilespmem:s17+$0x0] =	vst.msk $0xff, v0;
	s17 =	simm.s32 $0x3B20  }
0x1ff: {  	[tilespmem:s17+$0x0] =	vst.msk $0xff, v0;
	s17 =	simm.s32 $0x3B28  }
0x200: {  	[tilespmem:s17+$0x0] =	vst.msk $0xff, v0;
	s17 =	simm.s32 $0x3B30  }
0x201: {  	[tilespmem:s17+$0x0] =	vst.msk $0xff, v0;
	s17 =	simm.s32 $0x3B38  }
0x202: {  	[tilespmem:s17+$0x0] =	vst.msk $0xff, v0;
	s17 =	simm.s32 $0x3B40  }
0x203: {  	[tilespmem:s17+$0x0] =	vst.msk $0xff, v0;
	s17 =	simm.s32 $0x3B48  }
0x204: {  	[tilespmem:s17+$0x0] =	vst.msk $0xff, v0;
	s17 =	simm.s32 $0x3B50  }
0x205: {  	[tilespmem:s17+$0x0] =	vst.msk $0xff, v0;
	s17 =	simm.s32 $0x3B58  }
0x206: {  	[tilespmem:s17+$0x0] =	vst.msk $0xff, v0;
	s17 =	simm.s32 $0x3B60  }
0x207: {  	[tilespmem:s17+$0x0] =	vst.msk $0xff, v0;
	s17 =	simm.s32 $0x3B68  }
0x208: {  	[tilespmem:s17+$0x0] =	vst.msk $0xff, v0;
	s17 =	simm.s32 $0x3B70  }
0x209: {  	[tilespmem:s17+$0x0] =	vst.msk $0xff, v0;
	s17 =	simm.s32 $0x3B78  }
0x20a: {  	[tilespmem:s17+$0x0] =	vst.msk $0xff, v0;
	s17 =	simm.s32 $0x3B80  }
0x20b: {  	[tilespmem:s17+$0x0] =	vst.msk $0xff, v0;
	s17 =	simm.s32 $0x3B88  }
0x20c: {  	[tilespmem:s17+$0x0] =	vst.msk $0xff, v0;
	s17 =	simm.s32 $0x3B90  }
0x20d: {  	[tilespmem:s17+$0x0] =	vst.msk $0xff, v0;
	s17 =	simm.s32 $0x3B98  }
0x20e: {  	[tilespmem:s17+$0x0] =	vst.msk $0xff, v0;
	s17 =	simm.s32 $0x3BA0  }
0x20f: {  	[tilespmem:s17+$0x0] =	vst.msk $0xff, v0;
	s17 =	simm.s32 $0x3BA8  }
0x210: {  	[tilespmem:s17+$0x0] =	vst.msk $0xff, v0;
	s17 =	simm.s32 $0x3BB0  }
0x211: {  	[tilespmem:s17+$0x0] =	vst.msk $0xff, v0;
	s17 =	simm.s32 $0x3BB8  }
0x212: {  	[tilespmem:s17+$0x0] =	vst.msk $0xff, v0;
	s17 =	simm.s32 $0x3BC0  }
0x213: {  	[tilespmem:s17+$0x0] =	vst.msk $0xff, v0;
	s17 =	simm.s32 $0x3BC8  }
0x214: {  	[tilespmem:s17+$0x0] =	vst.msk $0xff, v0;
	s17 =	simm.s32 $0x3BD0  }
0x215: {  	[tilespmem:s17+$0x0] =	vst.msk $0xff, v0;
	s17 =	simm.s32 $0x3BD8  }
0x216: {  	[tilespmem:s17+$0x0] =	vst.msk $0xff, v0;
	s17 =	simm.s32 $0x3BE0  }
0x217: {  	[tilespmem:s17+$0x0] =	vst.msk $0xff, v0;
	s17 =	simm.s32 $0x3BE8  }
0x218: {  	[tilespmem:s17+$0x0] =	vst.msk $0xff, v0;
	s17 =	simm.s32 $0x3BF0  }
0x219: {  	[tilespmem:s17+$0x0] =	vst.msk $0xff, v0;
	s17 =	simm.s32 $0x3BF8  }
0x21a: {  	[tilespmem:s17+$0x0] =	vst.msk $0xff, v0;
	s17 =	simm.s32 $0x3C00  }
0x21b: {  	[tilespmem:s17+$0x0] =	vst.msk $0xff, v0;
	s17 =	simm.s32 $0x3C08  }
0x21c: {  	[tilespmem:s17+$0x0] =	vst.msk $0xff, v0;
	s17 =	simm.s32 $0x3C10  }
0x21d: {  	[tilespmem:s17+$0x0] =	vst.msk $0xff, v0;
	s17 =	simm.s32 $0x3C18  }
0x21e: {  	[tilespmem:s17+$0x0] =	vst.msk $0xff, v0;
	s17 =	simm.s32 $0x3C20  }
0x21f: {  	[tilespmem:s17+$0x0] =	vst.msk $0xff, v0;
	s17 =	simm.s32 $0x3C28  }
0x220: {  	[tilespmem:s17+$0x0] =	vst.msk $0xff, v0;
	s17 =	simm.s32 $0x3C30  }
0x221: {  	[tilespmem:s17+$0x0] =	vst.msk $0xff, v0;
	s17 =	simm.s32 $0x3C38  }
0x222: {  	[tilespmem:s17+$0x0] =	vst.msk $0xff, v0;
	s17 =	simm.s32 $0x3C40  }
0x223: {  	[tilespmem:s17+$0x0] =	vst.msk $0xff, v0;
	s17 =	simm.s32 $0x3C48  }
0x224: {  	[tilespmem:s17+$0x0] =	vst.msk $0xff, v0;
	s17 =	simm.s32 $0x3C50  }
0x225: {  	[tilespmem:s17+$0x0] =	vst.msk $0xff, v0;
	s17 =	simm.s32 $0x3C58  }
0x226: {  	[tilespmem:s17+$0x0] =	vst.msk $0xff, v0;
	s17 =	simm.s32 $0x3C60  }
0x227: {  	[tilespmem:s17+$0x0] =	vst.msk $0xff, v0;
	s17 =	simm.s32 $0x3C68  }
0x228: {  	[tilespmem:s17+$0x0] =	vst.msk $0xff, v0;
	s17 =	simm.s32 $0x3C70  }
0x229: {  	[tilespmem:s17+$0x0] =	vst.msk $0xff, v0;
	s17 =	simm.s32 $0x3C78  }
0x22a: {  	[tilespmem:s17+$0x0] =	vst.msk $0xff, v0;
	s17 =	simm.s32 $0x3C80  }
0x22b: {  	[tilespmem:s17+$0x0] =	vst.msk $0xff, v0;
	s17 =	simm.s32 $0x3C88  }
0x22c: {  	[tilespmem:s17+$0x0] =	vst.msk $0xff, v0;
	s17 =	simm.s32 $0x3C90  }
0x22d: {  	[tilespmem:s17+$0x0] =	vst.msk $0xff, v0;
	s17 =	simm.s32 $0x3C98  }
0x22e: {  	[tilespmem:s17+$0x0] =	vst.msk $0xff, v0;
	s17 =	simm.s32 $0x3CA0  }
0x22f: {  	[tilespmem:s17+$0x0] =	vst.msk $0xff, v0;
	s17 =	simm.s32 $0x3CA8  }
0x230: {  	[tilespmem:s17+$0x0] =	vst.msk $0xff, v0;
	s17 =	simm.s32 $0x3CB0  }
0x231: {  	[tilespmem:s17+$0x0] =	vst.msk $0xff, v0;
	s17 =	simm.s32 $0x3CB8  }
0x232: {  	[tilespmem:s17+$0x0] =	vst.msk $0xff, v0;
	s17 =	simm.s32 $0x3CC0  }
0x233: {  	[tilespmem:s17+$0x0] =	vst.msk $0xff, v0;
	s17 =	simm.s32 $0x3CC8  }
0x234: {  	[tilespmem:s17+$0x0] =	vst.msk $0xff, v0;
	s17 =	simm.s32 $0x3CD0  }
0x235: {  	[tilespmem:s17+$0x0] =	vst.msk $0xff, v0;
	s17 =	simm.s32 $0x3CD8  }
0x236: {  	[tilespmem:s17+$0x0] =	vst.msk $0xff, v0;
	s17 =	simm.s32 $0x3CE0  }
0x237: {  	[tilespmem:s17+$0x0] =	vst.msk $0xff, v0;
	s17 =	simm.s32 $0x3CE8  }
0x238: {  	[tilespmem:s17+$0x0] =	vst.msk $0xff, v0;
	s17 =	simm.s32 $0x3CF0  }
0x239: {  	[tilespmem:s17+$0x0] =	vst.msk $0xff, v0;
	s17 =	simm.s32 $0x3CF8  }
0x23a: {  	[tilespmem:s17+$0x0] =	vst.msk $0xff, v0;
	s17 =	simm.s32 $0x3D00  }
0x23b: {  	[tilespmem:s17+$0x0] =	vst.msk $0xff, v0;
	s17 =	simm.s32 $0x3D08  }
0x23c: {  	[tilespmem:s17+$0x0] =	vst.msk $0xff, v0;
	s17 =	simm.s32 $0x3D10  }
0x23d: {  	[tilespmem:s17+$0x0] =	vst.msk $0xff, v0;
	s17 =	simm.s32 $0x3D18  }
0x23e: {  	[tilespmem:s17+$0x0] =	vst.msk $0xff, v0;
	s17 =	simm.s32 $0x3D20  }
0x23f: {  	[tilespmem:s17+$0x0] =	vst.msk $0xff, v0;
	s17 =	simm.s32 $0x3D28  }
0x240: {  	[tilespmem:s17+$0x0] =	vst.msk $0xff, v0;
	s17 =	simm.s32 $0x3D30  }
0x241: {  	[tilespmem:s17+$0x0] =	vst.msk $0xff, v0;
	s17 =	simm.s32 $0x3D38  }
0x242: {  	[tilespmem:s17+$0x0] =	vst.msk $0xff, v0;
	s17 =	simm.s32 $0x3D40  }
0x243: {  	[tilespmem:s17+$0x0] =	vst.msk $0xff, v0;
	s17 =	simm.s32 $0x3D48  }
0x244: {  	[tilespmem:s17+$0x0] =	vst.msk $0xff, v0;
	s17 =	simm.s32 $0x3D50  }
0x245: {  	[tilespmem:s17+$0x0] =	vst.msk $0xff, v0;
	s17 =	simm.s32 $0x3D58  }
0x246: {  	[tilespmem:s17+$0x0] =	vst.msk $0xff, v0;
	s17 =	simm.s32 $0x3D60  }
0x247: {  	[tilespmem:s17+$0x0] =	vst.msk $0xff, v0;
	s17 =	simm.s32 $0x3D68  }
0x248: {  	[tilespmem:s17+$0x0] =	vst.msk $0xff, v0;
	s17 =	simm.s32 $0x3D70  }
0x249: {  	[tilespmem:s17+$0x0] =	vst.msk $0xff, v0;
	s17 =	simm.s32 $0x3D78  }
0x24a: {  	[tilespmem:s17+$0x0] =	vst.msk $0xff, v0;
	s17 =	simm.s32 $0x3D80  }
0x24b: {  	[tilespmem:s17+$0x0] =	vst.msk $0xff, v0;
	s17 =	simm.s32 $0x3D88  }
0x24c: {  	[tilespmem:s17+$0x0] =	vst.msk $0xff, v0;
	s17 =	simm.s32 $0x3D90  }
0x24d: {  	[tilespmem:s17+$0x0] =	vst.msk $0xff, v0;
	s17 =	simm.s32 $0x3D98  }
0x24e: {  	[tilespmem:s17+$0x0] =	vst.msk $0xff, v0;
	s17 =	simm.s32 $0x3DA0  }
0x24f: {  	[tilespmem:s17+$0x0] =	vst.msk $0xff, v0;
	s17 =	simm.s32 $0x3DA8  }
0x250: {  	[tilespmem:s17+$0x0] =	vst.msk $0xff, v0;
	s17 =	simm.s32 $0x3DB0  }
0x251: {  	[tilespmem:s17+$0x0] =	vst.msk $0xff, v0;
	s17 =	simm.s32 $0x3DB8  }
0x252: {  	[tilespmem:s17+$0x0] =	vst.msk $0xff, v0;
	s17 =	simm.s32 $0x3DC0  }
0x253: {  	[tilespmem:s17+$0x0] =	vst.msk $0xff, v0;
	s17 =	simm.s32 $0x3DC8  }
0x254: {  	[tilespmem:s17+$0x0] =	vst.msk $0xff, v0;
	s17 =	simm.s32 $0x3DD0  }
0x255: {  	[tilespmem:s17+$0x0] =	vst.msk $0xff, v0;
	s17 =	simm.s32 $0x3DD8  }
0x256: {  	[tilespmem:s17+$0x0] =	vst.msk $0xff, v0;
	s17 =	simm.s32 $0x3DE0  }
0x257: {  	[tilespmem:s17+$0x0] =	vst.msk $0xff, v0;
	s17 =	simm.s32 $0x3DE8  }
0x258: {  	[tilespmem:s17+$0x0] =	vst.msk $0xff, v0;
	s17 =	simm.s32 $0x3DF0  }
0x259: {  	[tilespmem:s17+$0x0] =	vst.msk $0xff, v0;
	s17 =	simm.s32 $0x3DF8  }
0x25a: {  	[tilespmem:s17+$0x0] =	vst.msk $0xff, v0;
	s17 =	simm.s32 $0x3E00  }
0x25b: {  	[tilespmem:s17+$0x0] =	vst.msk $0xff, v0;
	s17 =	simm.s32 $0x3E08  }
0x25c: {  	[tilespmem:s17+$0x0] =	vst.msk $0xff, v0;
	s17 =	simm.s32 $0x3E10  }
0x25d: {  	[tilespmem:s17+$0x0] =	vst.msk $0xff, v0;
	s17 =	simm.s32 $0x3E18  }
0x25e: {  	[tilespmem:s17+$0x0] =	vst.msk $0xff, v0;
	s17 =	simm.s32 $0x3E20  }
0x25f: {  	[tilespmem:s17+$0x0] =	vst.msk $0xff, v0;
	s17 =	simm.s32 $0x3E28  }
0x260: {  	[tilespmem:s17+$0x0] =	vst.msk $0xff, v0;
	s17 =	simm.s32 $0x3E30  }
0x261: {  	[tilespmem:s17+$0x0] =	vst.msk $0xff, v0;
	s17 =	simm.s32 $0x3E38  }
0x262: {  	[tilespmem:s17+$0x0] =	vst.msk $0xff, v0;
	s17 =	simm.s32 $0x3E40  }
0x263: {  	[tilespmem:s17+$0x0] =	vst.msk $0xff, v0;
	s17 =	simm.s32 $0x3E48  }
0x264: {  	[tilespmem:s17+$0x0] =	vst.msk $0xff, v0;
	s17 =	simm.s32 $0x3E50  }
0x265: {  	[tilespmem:s17+$0x0] =	vst.msk $0xff, v0;
	s17 =	simm.s32 $0x3E58  }
0x266: {  	[tilespmem:s17+$0x0] =	vst.msk $0xff, v0;
	s17 =	simm.s32 $0x3E60  }
0x267: {  	[tilespmem:s17+$0x0] =	vst.msk $0xff, v0;
	s17 =	simm.s32 $0x3E68  }
0x268: {  	[tilespmem:s17+$0x0] =	vst.msk $0xff, v0;
	s17 =	simm.s32 $0x3E70  }
0x269: {  	[tilespmem:s17+$0x0] =	vst.msk $0xff, v0;
	s17 =	simm.s32 $0x3E78  }
0x26a: {  	[tilespmem:s17+$0x0] =	vst.msk $0xff, v0;
	s17 =	simm.s32 $0x3E80  }
0x26b: {  	[tilespmem:s17+$0x0] =	vst.msk $0xff, v0;
	s17 =	simm.s32 $0x3E88  }
0x26c: {  	[tilespmem:s17+$0x0] =	vst.msk $0xff, v0;
	s17 =	simm.s32 $0x3E90  }
0x26d: {  	[tilespmem:s17+$0x0] =	vst.msk $0xff, v0;
	s17 =	simm.s32 $0x3E98  }
0x26e: {  	[tilespmem:s17+$0x0] =	vst.msk $0xff, v0;
	s17 =	simm.s32 $0x3EA0  }
0x26f: {  	[tilespmem:s17+$0x0] =	vst.msk $0xff, v0;
	s17 =	simm.s32 $0x3EA8  }
0x270: {  	[tilespmem:s17+$0x0] =	vst.msk $0xff, v0;
	s17 =	simm.s32 $0x3EB0  }
0x271: {  	[tilespmem:s17+$0x0] =	vst.msk $0xff, v0;
	s17 =	simm.s32 $0x3EB8  }
0x272: {  	[tilespmem:s17+$0x0] =	vst.msk $0xff, v0;
	s17 =	simm.s32 $0x3EC0  }
0x273: {  	[tilespmem:s17+$0x0] =	vst.msk $0xff, v0;
	s17 =	simm.s32 $0x3EC8  }
0x274: {  	[tilespmem:s17+$0x0] =	vst.msk $0xff, v0;
	s17 =	simm.s32 $0x3ED0  }
0x275: {  	[tilespmem:s17+$0x0] =	vst.msk $0xff, v0;
	s17 =	simm.s32 $0x3ED8  }
0x276: {  	[tilespmem:s17+$0x0] =	vst.msk $0xff, v0;
	s17 =	simm.s32 $0x3EE0  }
0x277: {  	[tilespmem:s17+$0x0] =	vst.msk $0xff, v0;
	s17 =	simm.s32 $0x3EE8  }
0x278: {  	[tilespmem:s17+$0x0] =	vst.msk $0xff, v0;
	s17 =	simm.s32 $0x3EF0  }
0x279: {  	[tilespmem:s17+$0x0] =	vst.msk $0xff, v0;
	s17 =	simm.s32 $0x3EF8  }
0x27a: {  	[tilespmem:s17+$0x0] =	vst.msk $0xff, v0;
	s17 =	simm.s32 $0x3F00  }
0x27b: {  	[tilespmem:s17+$0x0] =	vst.msk $0xff, v0;
	s17 =	simm.s32 $0x3F08  }
0x27c: {  	[tilespmem:s17+$0x0] =	vst.msk $0xff, v0;
	s17 =	simm.s32 $0x3F10  }
0x27d: {  	[tilespmem:s17+$0x0] =	vst.msk $0xff, v0;
	s17 =	simm.s32 $0x3F18  }
0x27e: {  	[tilespmem:s17+$0x0] =	vst.msk $0xff, v0;
	s17 =	simm.s32 $0x3F20  }
0x27f: {  	[tilespmem:s17+$0x0] =	vst.msk $0xff, v0;
	s17 =	simm.s32 $0x3F28  }
0x280: {  	[tilespmem:s17+$0x0] =	vst.msk $0xff, v0;
	s17 =	simm.s32 $0x3F30  }
0x281: {  	[tilespmem:s17+$0x0] =	vst.msk $0xff, v0;
	s17 =	simm.s32 $0x3F38  }
0x282: {  	[tilespmem:s17+$0x0] =	vst.msk $0xff, v0  }
0x283: {  	[tilespmem:s18+$0x0] =	vst.msk $0xff, v0  }
0x284: {  	[tilespmem:s19+$0x0] =	vst.msk $0xff, v0  }
0x285: {  	[tilespmem:s20+$0x0] =	vst.msk $0xff, v0  }
0x286: {  	[tilespmem:s21+$0x0] =	vst.msk $0xff, v0  }
0x287: {  	[tilespmem:s22+$0x0] =	vst.msk $0xff, v0  }
0x288: {  	[tilespmem:s23+$0x0] =	vst.msk $0xff, v0  }
0x289: {  	[tilespmem:s24+$0x0] =	vst.msk $0xff, v0  }
0x28a: {  	[tilespmem:s25+$0x0] =	vst.msk $0xff, v0  }
0x28b: {  	[tilespmem:s26+$0x0] =	vst.msk $0xff, v0  }
0x28c: {  	[tilespmem:s28+$0x0] =	vst.msk $0xff, v0  }
0x28d: {  	[tilespmem:s29+$0x0] =	vst.msk $0xff, v0  }
0x28e: {  	[tilespmem:s30+$0x0] =	vst.msk $0xff, v0  }
0x28f: {  	[tilespmem:s31+$0x0] =	vst.msk $0xff, v0  }
0x290: {  	[tilespmem:s0+$0x0] =	vst.msk $0xff, v0  }
0x291: {  	[tilespmem:s2+$0x0] =	vst.msk $0xff, v0  }
0x292: {  	[tilespmem:s12+$0x0] =	vst.msk $0xff, v0  }
0x293: {  	[spmem:s6] =	stream.linear.scatter [tilespmem:s11], [sflag:$0x2], $0x13C0, $0x38;
	[tilespmem:$0x5380] =	vst v63  }
0x294: {  	_ =	swait.ge [sflag:s9], $0x13C0  }
0x295: {  	[sflag:s9] =	ssyncset.done $0x0  }
0x296: {  	[sflag:s9] =	ssyncadd.s32 $0xFFFFEC40  }
0x297: {  	s16 =	simm.s32 $0x0;
	[bflag:$0x0] =	sbarrier.arrive $0xFFFF  }
.LBB2_2:
0x298: {  	p0 =	sne.s32 s16, $0x9E00  }
.Ltmp0:
0x299: {  	_ = 	snop;
	(pc) =	sbr.rel @p0 .LBB2_2-.Ltmp0, $3  }
0x29a: {  	_ =	sdelay $0x1  }
0x29b: {  	s17 =	sshra.s32 s16, $0x2;
	s16 =	sadd.s32 $0x200, s16  }
0x29c: {  	[spmem:s1] =	stream.indirect.scatter.add.f32 [tilespmem:s10], [sflag:$0x1], $0x8, s17, s13, $0xb8;
	[tilespmem:$0x5380] =	vst v63  }
0x29d: {  	_ =	swait.ge [sflag:s14], $0x400  }
0x29e: {  	s16 =	simm.s32 $0x4F;
	[sflag:s14] =	ssyncset.done $0x0  }
.LBB2_4:
0x29f: {  	p0 =	sne.s32 s16, $0x1;
	s16 =	sadd.s32 $0xFFFFFFFF, s16;
	[sflag:s14] =	ssyncadd.s32 $0xFFFFFC00  }
.Ltmp1:
0x2a0: {  	(pc) =	sbr.rel @p0 .LBB2_4-.Ltmp1, $3  }
0x2a1: {  	_ =	sdelay $0x1  }
0x2a2: {  	_ =	swait.ge [sflag:s14], $0x400  }
0x2a3: {  	[sflag:s14] =	ssyncset.done $0x0  }
0x2a4: {  	[sflag:s14] =	ssyncadd.s32 $0xFFFFFC00  }
0x2a5: {  	[bflag:$0x0] =	sbarrier.arrive $0xFFFF  }
0x2a6: {  	[tilespmem:s11], [sflag:$0x2] =	stream.linear.gather [spmem:s6], $0x13C0, $0x38;
	[tilespmem:$0x5380] =	vst v63  }
0x2a7: {  	s15 =	sadd.s32 $0x1, s15;
	_ =	swait.ge [sflag:s9], $0x13C0  }
0x2a8: {  	p0 =	sne.s32 s15, s8;
	[sflag:s9] =	ssyncset.done $0x0  }
.Ltmp2:
0x2a9: {  	[sflag:s9] =	ssyncadd.s32 $0xFFFFEC40;
	(pc) =	sbr.rel @p0 .LBB2_1-.Ltmp2, $4  }
0x2aa: {  	[hbm4b:s7+s3] =	stream.linear.scatter [tilespmem:s11], [sflag:$0x2], $0x13C0, $0x38;
	[tilespmem:$0x5380] =	vst v63  }
0x2ab: {  	_ =	swait.ge [sflag:s9], $0x13C0  }
0x2ac: {  	[sflag:s9] =	ssyncset.done $0x0  }
0x2ad: {  	[sflag:s9] =	ssyncadd.s32 $0xFFFFEC40  }
0x2ae: {  	_ =	sfence.sel $0x180000  }
0x2af: {  	[bflag:$0x0] =	sbarrier.arrive $0xFFFF  }
0x2b0: {  	_ =	strace $0x90000047  }
0x2b1: {  	s0 =	stileid.u32;
	[bflag:$0x2] =	sbarrier.arrive $0xFFFF  }
0x2b2: {  	p0 =	sne.s32 s0, $0x0;
	s0 =	rddreg [dreg:$0x4]  }
0x2b3: {  	s0 =	sadd.s32 @!p0 $0x100000, s0  }
0x2b4: {  	[sflag:s0] =	ssyncadd.tile.s32 @!p0 $0x1;
	_ =	shalt  }
.Lfunc_end2:
_tile_overlayer_lowered:
.L_overlay_start_2:
0x2b5: {  	(tag) =	ssettag $0x2  }
0x2b6: {  	s0 =	rddreg [dreg:$0x0];
	s2 =	stileid.u32  }
0x2b7: {  	s1 =	rddreg [dreg:$0x1];
	p0 =	sne.s32 s2, $0x0  }
0x2b8: {  	s3 =	rddreg [dreg:$0x2];
	[bflag:$0x3] =	sbarrier.arrive $0xFFFF;
	s2 =	simm.s32 @!p0 $0x1C02  }
0x2b9: {  	[timem:s3], [sflag:s2] =	dma.local @!p0 [hbm:s0], s1  }
0x2ba: {  	s0 =	simm.s32 @!p0 $0x2  }
0x2bb: {  	_ =	swait.ge @!p0 [sflag:s0], s1  }
0x2bc: {  	s1 =	ssub.s32 @!p0 $0x0, s1;
	[sflag:s0] =	ssyncset.done @!p0 $0x0  }
0x2bd: {  	[sflag:s0] =	ssyncadd.s32 @!p0 s1  }
0x2be: {  	[bflag:$0x3] =	sbarrier.arrive $0xFFFF  }
0x2bf: {  	_ =	shalt  }

</sc_bundles>
